<compile_context>
chip_gen: v7x
topology: tpu7x:2x2x1
jax: 0.10.2.dev20260603
libtpu: 0.0.44.dev20260713+nightly
codegen_flags: <defaults>
</compile_context>

<pallas_src>
import functools

import jax
import jax.numpy as jnp
from jax import lax
from jax.experimental import pallas as pl
from jax.experimental.pallas import tpu as pltpu
from jax.experimental.pallas import tpu_sc as plsc

_DIM = 256
_N_EMBED = 8192
_BETA = 0.25
_FIX = 30.0
_N_ROWS = 9216

_ROW_BLK = 256

_SC_NC = 2
_SC_NS = 16
_SC_NW = _SC_NC * _SC_NS
_B_PER_W = _N_ROWS // _SC_NW


def _lexfold(v, ix, w):
    va, vb = v[:, :w], v[:, w:]
    ia, ib = ix[:, :w], ix[:, w:]
    keep = (va < vb) | ((va == vb) & (ia < ib))
    return jnp.where(keep, va, vb), jnp.where(keep, ia, ib)


_TILE = 2048


def _main_body(zs_ref, eb_ref, zsq_ref, esq_ref, idx_ref, dsum_ref):
    i = pl.program_id(0)
    conv = lax.dot_general(
        zs_ref[...], eb_ref[...], (((1,), (1,)), ((), ())),
        preferred_element_type=jnp.float32,
    )
    t = zsq_ref[...] + esq_ref[...]
    d = t - conv * 2.0
    iota = lax.broadcasted_iota(jnp.int32, d.shape, 1)

    tvs, tis = [], []
    for tt in range(_N_EMBED // _TILE):
        v = d[:, tt * _TILE:(tt + 1) * _TILE]
        ix = iota[:, tt * _TILE:(tt + 1) * _TILE]
        w = _TILE // 2
        while w >= 8:
            v, ix = _lexfold(v, ix, w)
            w //= 2
        tvs.append(v)
        tis.append(ix)

    ntiles = len(tvs)
    cv, ci = tvs[0], tis[0]
    um = tvs[0]
    for tt in range(1, ntiles):
        um = jnp.minimum(um, tvs[tt])
        keep = cv < tvs[tt]
        keepi = keep | ((cv == tvs[tt]) & (ci < tis[tt]))
        cv = jnp.where(keep, cv, tvs[tt])
        ci = jnp.where(keepi, ci, tis[tt])
        if tt < ntiles - 1:
            cv = cv.astype(jnp.bfloat16).astype(jnp.float32)

    w = 4
    while w >= 1:
        cv, ci = _lexfold(cv, ci, w)
        w //= 2
    idx_ref[...] = ci

    m = jnp.min(um, axis=1, keepdims=True)
    part = jnp.sum(m)

    @pl.when(i == 0)
    def _():
        dsum_ref[0, 0] = 0.0

    dsum_ref[0, 0] += part


def _gather_rows(table, idx):
    mesh = plsc.VectorSubcoreMesh(core_axis_name="c", subcore_axis_name="s")

    @functools.partial(
        pl.kernel,
        mesh=mesh,
        out_type=jax.ShapeDtypeStruct((_N_ROWS, _DIM), jnp.float32),
        scratch_types=[
            pltpu.VMEM((_B_PER_W,), jnp.int32),
            pltpu.VMEM((_B_PER_W, _DIM), jnp.float32),
            pltpu.SemaphoreType.DMA,
        ],
    )
    def k(table_hbm, idx_hbm, out_hbm, idx_v, rows_v, sem):
        wid = lax.axis_index("s") * _SC_NC + lax.axis_index("c")
        base = wid * _B_PER_W
        pltpu.sync_copy(idx_hbm.at[pl.ds(base, _B_PER_W)], idx_v)
        pltpu.async_copy(table_hbm.at[idx_v], rows_v, sem).wait()
        pltpu.sync_copy(rows_v, out_hbm.at[pl.ds(base, _B_PER_W)])

    return k(table, idx)


def kernel(z, embedding):
    b, cdim, h, w = z.shape
    zt = jnp.transpose(z, (0, 2, 3, 1))
    pre_len = jnp.mean(jnp.linalg.norm(z, axis=1))
    zt = jnp.where(pre_len >= _FIX, zt / pre_len * _FIX, zt)
    zs4 = jax.lax.stop_gradient(zt) / _FIX
    zs_bf = zs4.astype(jnp.bfloat16).reshape(_N_ROWS, _DIM)
    zsq = jnp.sum(zs4 ** 2, axis=3).reshape(_N_ROWS, 1)
    esq = jnp.sum(embedding ** 2, axis=1).reshape(1, _N_EMBED)
    eb = embedding.astype(jnp.bfloat16)

    idx2d, dsum = pl.pallas_call(
        _main_body,
        grid=(_N_ROWS // _ROW_BLK,),
        in_specs=[
            pl.BlockSpec((_ROW_BLK, _DIM), lambda i: (i, 0)),
            pl.BlockSpec((_N_EMBED, _DIM), lambda i: (0, 0)),
            pl.BlockSpec((_ROW_BLK, 1), lambda i: (i, 0)),
            pl.BlockSpec((1, _N_EMBED), lambda i: (0, 0)),
        ],
        out_specs=[
            pl.BlockSpec((_ROW_BLK, 1), lambda i: (i, 0)),
            pl.BlockSpec(memory_space=pltpu.SMEM),
        ],
        out_shape=[
            jax.ShapeDtypeStruct((_N_ROWS, 1), jnp.int32),
            jax.ShapeDtypeStruct((1, 1), jnp.float32),
        ],
    )(zs_bf, eb, zsq, esq)

    indices = idx2d.reshape(_N_ROWS)
    diff = _BETA * (_FIX * _FIX) * dsum[0, 0] / (_N_ROWS * _DIM)

    zq_rows = _gather_rows(embedding, indices)
    z_q = (zq_rows * _FIX).reshape(b, h, w, cdim)
    z_q = jnp.transpose(z_q, (0, 3, 1, 2))
    return (z_q, diff, indices)

# --- scband reference (transcript-rebuilt; emitter-appended) ---
"""Pipeline reference for scband-emavector-quantizer-39170101740127 (READ-ONLY COPY).

The authoritative reference and input builder live on the scoring server;
editing this copy changes nothing except your own understanding.
"""

import jax, jax.numpy as jnp
import numpy as np

DIM = 256
N_EMBED = 8192
BETA = 0.25
FIX = 30.0


def setup_inputs(seed: int = 0) -> dict:
    key = jax.random.key(seed)
    k1, k2 = jax.random.split(key)
    z = jax.random.normal(k1, (16, DIM, 24, 24), dtype=jnp.float32)
    embedding = jax.random.normal(k2, (N_EMBED, DIM), dtype=jnp.float32)
    return {"z": z, "embedding": embedding}


def reference(z, embedding):
    # pre_len_l2norm: norm over channel dim of (b, c, h, w), then mean
    pre_len = jnp.mean(jnp.linalg.norm(z, axis=1))
    # rearrange b c h w -> b h w c
    zt = jnp.transpose(z, (0, 2, 3, 1))
    # use_l2_norm=False branch: scale down if pre_len >= fix_len_l2norm
    zt = jnp.where(pre_len >= FIX, zt / pre_len * FIX, zt)
    z_flattened = zt.reshape(-1, DIM)
    # norm_type != 'rela_llm' -> scaled_ratio = fix_len_l2norm
    scaled_ratio = FIX
    zs = jax.lax.stop_gradient(z_flattened) / scaled_ratio
    d = (jnp.sum(zs ** 2, axis=1, keepdims=True)
         + jnp.sum(embedding ** 2, axis=1)
         - 2.0 * (zs @ embedding.T))
    min_encoding_indices = jnp.argmin(d, axis=1)
    z_q = jnp.take(embedding, min_encoding_indices, axis=0).reshape(zt.shape) * scaled_ratio
    diff = BETA * jnp.mean((jax.lax.stop_gradient(z_q) - zt) ** 2)
    z_q = zt + jax.lax.stop_gradient(z_q - zt)
    z_q = jnp.transpose(z_q, (0, 3, 1, 2))
    return (z_q, diff, min_encoding_indices)

if __name__ == "__main__":
    import jax
    _d = setup_inputs()
    print(jax.jit(kernel)(*tuple(_d.values())))

</pallas_src>

<mosaic_0001>
#map = affine_map<(d0, d1) -> (0, 0)>
#map1 = affine_map<(d0, d1) -> (0)>
module attributes {stable_mosaic.version = 14 : i64} {
  func.func @k(%arg0: i32, %arg1: i32, %arg2: memref<8192x256xf32, #tpu.memory_space<hbm>>, %arg3: memref<9216xi32, #tpu.memory_space<hbm>>, %arg4: memref<9216x256xf32, #tpu.memory_space<hbm>>, %arg5: memref<288xi32, #tpu.memory_space<vmem>>, %arg6: memref<288x256xf32, #tpu.memory_space<vmem>>, %arg7: memref<!tpu.dma_semaphore, #tpu.memory_space<semaphore_mem>>) attributes {dimension_semantics = [#tpu.dimension_semantics<core_parallel>, #tpu.dimension_semantics<subcore_parallel>], iteration_bounds = array<i64: 2, 16>, scalar_prefetch = 0 : i64, scratch_operands = 3 : i64, tpu.core_type = #tpu.core_type<sc_vector_subcore>, window_params = [{transform_indices = #map}, {transform_indices = #map1}, {transform_indices = #map}]} {
    %mul3A = arith.constant 2 : i32
    %mul3A_0 = arith.muli %arg1, %mul3A : i32
    %add3A = arith.addi %mul3A_0, %arg0 : i32
    %mul3A_1 = arith.constant 288 : i32
    %mul3A_2 = arith.muli %add3A, %mul3A_1 : i32
    "tpu.region"() ({
      %run_scoped3A = tpu.sem_alloc : memref<!tpu.dma_semaphore, #tpu.memory_space<semaphore_mem>>
      %dma_start3A_7 = tpu.memref_slice %arg3[%mul3A_2] : memref<9216xi32, #tpu.memory_space<hbm>> -> memref<288xi32, #tpu.memory_space<hbm>>
      %dma_start3A_8 = tpu.memref_slice %arg3[%mul3A_2] : memref<9216xi32, #tpu.memory_space<hbm>> -> memref<288xi32, #tpu.memory_space<hbm>>
      tpu.enqueue_dma source(%dma_start3A_8 : memref<288xi32, #tpu.memory_space<hbm>>) target(%arg5 : memref<288xi32, #tpu.memory_space<vmem>>) target_semaphore(%run_scoped3A : memref<!tpu.dma_semaphore, #tpu.memory_space<semaphore_mem>>)
      %dma_wait3A_9 = tpu.memref_slice %arg3[%mul3A_2] : memref<9216xi32, #tpu.memory_space<hbm>> -> memref<288xi32, #tpu.memory_space<hbm>>
      %dma_wait3A_10 = tpu.memref_slice %arg3[%mul3A_2] : memref<9216xi32, #tpu.memory_space<hbm>> -> memref<288xi32, #tpu.memory_space<hbm>>
      tpu.wait_dma2 semaphore(%run_scoped3A : memref<!tpu.dma_semaphore, #tpu.memory_space<semaphore_mem>>) src(%dma_wait3A_10 : memref<288xi32, #tpu.memory_space<hbm>>) dst(%arg5 : memref<288xi32, #tpu.memory_space<vmem>>)
      tpu.yield
    }) : () -> ()
    %dma_start3A = arith.constant 0 : i32
    %dma_start3A_3 = arith.constant 0 : i32
    %dma_start3A_4 = tpu.memref_slice %arg2[%dma_start3A, %dma_start3A_3] : memref<8192x256xf32, #tpu.memory_space<hbm>> -> memref<8192x256xf32, #tpu.memory_space<hbm>>
    tpu.enqueue_indirect_dma source(%dma_start3A_4 : memref<8192x256xf32, #tpu.memory_space<hbm>>) target(%arg6 : memref<288x256xf32, #tpu.memory_space<vmem>>) offsets(%arg5 : memref<288xi32, #tpu.memory_space<vmem>>) semaphore(%arg7 : memref<!tpu.dma_semaphore, #tpu.memory_space<semaphore_mem>>)
    %dma_wait3A = arith.constant 0 : i32
    %dma_wait3A_5 = arith.constant 0 : i32
    %dma_wait3A_6 = tpu.memref_slice %arg2[%dma_wait3A, %dma_wait3A_5] : memref<8192x256xf32, #tpu.memory_space<hbm>> -> memref<8192x256xf32, #tpu.memory_space<hbm>>
    tpu.wait_indirect_dma semaphore(%arg7 : memref<!tpu.dma_semaphore, #tpu.memory_space<semaphore_mem>>) src(%dma_wait3A_6 : memref<8192x256xf32, #tpu.memory_space<hbm>>) dst(%arg6 : memref<288x256xf32, #tpu.memory_space<vmem>>)
    "tpu.region"() ({
      %run_scoped3A = tpu.sem_alloc : memref<!tpu.dma_semaphore, #tpu.memory_space<semaphore_mem>>
      %dma_start3A_7 = arith.constant 0 : i32
      %dma_start3A_8 = tpu.memref_slice %arg4[%mul3A_2, %dma_start3A_7] : memref<9216x256xf32, #tpu.memory_space<hbm>> -> memref<288x256xf32, #tpu.memory_space<hbm>>
      %dma_start3A_9 = arith.constant 0 : i32
      %dma_start3A_10 = tpu.memref_slice %arg4[%mul3A_2, %dma_start3A_9] : memref<9216x256xf32, #tpu.memory_space<hbm>> -> memref<288x256xf32, #tpu.memory_space<hbm>>
      tpu.enqueue_dma source(%arg6 : memref<288x256xf32, #tpu.memory_space<vmem>>) target(%dma_start3A_10 : memref<288x256xf32, #tpu.memory_space<hbm>>) target_semaphore(%run_scoped3A : memref<!tpu.dma_semaphore, #tpu.memory_space<semaphore_mem>>)
      %dma_wait3A_11 = arith.constant 0 : i32
      %dma_wait3A_12 = tpu.memref_slice %arg4[%mul3A_2, %dma_wait3A_11] : memref<9216x256xf32, #tpu.memory_space<hbm>> -> memref<288x256xf32, #tpu.memory_space<hbm>>
      %dma_wait3A_13 = arith.constant 0 : i32
      %dma_wait3A_14 = tpu.memref_slice %arg4[%mul3A_2, %dma_wait3A_13] : memref<9216x256xf32, #tpu.memory_space<hbm>> -> memref<288x256xf32, #tpu.memory_space<hbm>>
      tpu.wait_dma2 semaphore(%run_scoped3A : memref<!tpu.dma_semaphore, #tpu.memory_space<semaphore_mem>>) src(%arg6 : memref<288x256xf32, #tpu.memory_space<vmem>>) dst(%dma_wait3A_14 : memref<288x256xf32, #tpu.memory_space<hbm>>)
      tpu.yield
    }) : () -> ()
    return
  }
}

module attributes {stable_mosaic.version = 14 : i64} {
  func.func @_main_body(%arg0: i32, %arg1: memref<256x256xbf16, #tpu.memory_space<vmem>>, %arg2: memref<8192x256xbf16, #tpu.memory_space<vmem>>, %arg3: memref<256x1xf32, #tpu.memory_space<vmem>>, %arg4: memref<1x8192xf32, #tpu.memory_space<vmem>>, %arg5: memref<256x1xi32, #tpu.memory_space<vmem>>, %arg6: memref<1x1xf32, #tpu.memory_space<smem>>) attributes {dimension_semantics = [#tpu.dimension_semantics<arbitrary>], iteration_bounds = array<i64: 36>, scalar_prefetch = 0 : i64, scratch_operands = 0 : i64, tpu.core_type = #tpu.core_type<tc>, window_params = [{transform_indices = @transform_0, window_bounds = array<i64: 256, 256>}, {pipeline_mode = #tpu.pipeline_mode<synchronous>, transform_indices = @transform_1, window_bounds = array<i64: 8192, 256>}, {transform_indices = @transform_2, window_bounds = array<i64: 256, 1>}, {pipeline_mode = #tpu.pipeline_mode<synchronous>, transform_indices = @transform_3, window_bounds = array<i64: 1, 8192>}, {transform_indices = @transform_4, window_bounds = array<i64: 256, 1>}, {transform_indices = @transform_5, window_bounds = array<i64: 1, 1>}]} {
    %get3A = arith.constant 0 : index
    %get3A_0 = arith.constant 0 : index
    %get3A_1 = vector.load %arg1[%get3A, %get3A_0] : memref<256x256xbf16, #tpu.memory_space<vmem>>, vector<256x256xbf16>
    %get3A_2 = arith.constant 0 : index
    %get3A_3 = arith.constant 0 : index
    %get3A_4 = vector.load %arg2[%get3A_2, %get3A_3] : memref<8192x256xbf16, #tpu.memory_space<vmem>>, vector<8192x256xbf16>
    %dot_general3A = arith.constant dense<0.000000e+00> : vector<256x8192xf32>
    %dot_general3A_5 = tpu.matmul %get3A_1, %get3A_4, %dot_general3A {dimension_numbers = #tpu.dot_dimension_numbers<[1], [1], [0], [0], [0, 0, 1, 0], [], []>, transpose_lhs_hint = false} : vector<256x256xbf16>, vector<8192x256xbf16>, vector<256x8192xf32> -> vector<256x8192xf32>
    %get3A_6 = arith.constant 0 : index
    %get3A_7 = arith.constant 0 : index
    %get3A_8 = vector.load %arg3[%get3A_6, %get3A_7] : memref<256x1xf32, #tpu.memory_space<vmem>>, vector<256x1xf32>
    %get3A_9 = arith.constant 0 : index
    %get3A_10 = arith.constant 0 : index
    %get3A_11 = vector.load %arg4[%get3A_9, %get3A_10] : memref<1x8192xf32, #tpu.memory_space<vmem>>, vector<1x8192xf32>
    %add3A = vector.broadcast %get3A_8 : vector<256x1xf32> to vector<256x8192xf32>
    %add3A_12 = vector.broadcast %get3A_11 : vector<1x8192xf32> to vector<256x8192xf32>
    %add3A_13 = arith.addf %add3A, %add3A_12 : vector<256x8192xf32>
    %mul3A = arith.constant 2.000000e+00 : f32
    %mul3A_14 = vector.broadcast %mul3A : f32 to vector<256x8192xf32>
    %mul3A_15 = arith.mulf %dot_general3A_5, %mul3A_14 : vector<256x8192xf32>
    %sub3A = arith.subf %add3A_13, %mul3A_15 : vector<256x8192xf32>
    %iota3A = tpu.iota {dimensions = array<i32: 1>} : vector<256x8192xi32>
    %slice3A = vector.extract_strided_slice %sub3A {offsets = [0, 0], sizes = [256, 2048], strides = [1, 1]} : vector<256x8192xf32> to vector<256x2048xf32>
    %slice3A_16 = vector.extract_strided_slice %iota3A {offsets = [0, 0], sizes = [256, 2048], strides = [1, 1]} : vector<256x8192xi32> to vector<256x2048xi32>
    %slice3A_17 = vector.extract_strided_slice %slice3A {offsets = [0, 0], sizes = [256, 1024], strides = [1, 1]} : vector<256x2048xf32> to vector<256x1024xf32>
    %slice3A_18 = vector.extract_strided_slice %slice3A {offsets = [0, 1024], sizes = [256, 1024], strides = [1, 1]} : vector<256x2048xf32> to vector<256x1024xf32>
    %slice3A_19 = vector.extract_strided_slice %slice3A_16 {offsets = [0, 0], sizes = [256, 1024], strides = [1, 1]} : vector<256x2048xi32> to vector<256x1024xi32>
    %slice3A_20 = vector.extract_strided_slice %slice3A_16 {offsets = [0, 1024], sizes = [256, 1024], strides = [1, 1]} : vector<256x2048xi32> to vector<256x1024xi32>
    %lt3A = arith.cmpf olt, %slice3A_17, %slice3A_18 : vector<256x1024xf32>
    %eq3A = arith.cmpf oeq, %slice3A_17, %slice3A_18 : vector<256x1024xf32>
    %lt3A_21 = arith.cmpi slt, %slice3A_19, %slice3A_20 : vector<256x1024xi32>
    %and3A = arith.andi %eq3A, %lt3A_21 : vector<256x1024xi1>
    %or3A = arith.ori %lt3A, %and3A : vector<256x1024xi1>
    %select_n3A = arith.select %or3A, %slice3A_17, %slice3A_18 : vector<256x1024xi1>, vector<256x1024xf32>
    %select_n3A_22 = arith.select %or3A, %slice3A_19, %slice3A_20 : vector<256x1024xi1>, vector<256x1024xi32>
    %slice3A_23 = vector.extract_strided_slice %select_n3A {offsets = [0, 0], sizes = [256, 512], strides = [1, 1]} : vector<256x1024xf32> to vector<256x512xf32>
    %slice3A_24 = vector.extract_strided_slice %select_n3A {offsets = [0, 512], sizes = [256, 512], strides = [1, 1]} : vector<256x1024xf32> to vector<256x512xf32>
    %slice3A_25 = vector.extract_strided_slice %select_n3A_22 {offsets = [0, 0], sizes = [256, 512], strides = [1, 1]} : vector<256x1024xi32> to vector<256x512xi32>
    %slice3A_26 = vector.extract_strided_slice %select_n3A_22 {offsets = [0, 512], sizes = [256, 512], strides = [1, 1]} : vector<256x1024xi32> to vector<256x512xi32>
    %lt3A_27 = arith.cmpf olt, %slice3A_23, %slice3A_24 : vector<256x512xf32>
    %eq3A_28 = arith.cmpf oeq, %slice3A_23, %slice3A_24 : vector<256x512xf32>
    %lt3A_29 = arith.cmpi slt, %slice3A_25, %slice3A_26 : vector<256x512xi32>
    %and3A_30 = arith.andi %eq3A_28, %lt3A_29 : vector<256x512xi1>
    %or3A_31 = arith.ori %lt3A_27, %and3A_30 : vector<256x512xi1>
    %select_n3A_32 = arith.select %or3A_31, %slice3A_23, %slice3A_24 : vector<256x512xi1>, vector<256x512xf32>
    %select_n3A_33 = arith.select %or3A_31, %slice3A_25, %slice3A_26 : vector<256x512xi1>, vector<256x512xi32>
    %slice3A_34 = vector.extract_strided_slice %select_n3A_32 {offsets = [0, 0], sizes = [256, 256], strides = [1, 1]} : vector<256x512xf32> to vector<256x256xf32>
    %slice3A_35 = vector.extract_strided_slice %select_n3A_32 {offsets = [0, 256], sizes = [256, 256], strides = [1, 1]} : vector<256x512xf32> to vector<256x256xf32>
    %slice3A_36 = vector.extract_strided_slice %select_n3A_33 {offsets = [0, 0], sizes = [256, 256], strides = [1, 1]} : vector<256x512xi32> to vector<256x256xi32>
    %slice3A_37 = vector.extract_strided_slice %select_n3A_33 {offsets = [0, 256], sizes = [256, 256], strides = [1, 1]} : vector<256x512xi32> to vector<256x256xi32>
    %lt3A_38 = arith.cmpf olt, %slice3A_34, %slice3A_35 : vector<256x256xf32>
    %eq3A_39 = arith.cmpf oeq, %slice3A_34, %slice3A_35 : vector<256x256xf32>
    %lt3A_40 = arith.cmpi slt, %slice3A_36, %slice3A_37 : vector<256x256xi32>
    %and3A_41 = arith.andi %eq3A_39, %lt3A_40 : vector<256x256xi1>
    %or3A_42 = arith.ori %lt3A_38, %and3A_41 : vector<256x256xi1>
    %select_n3A_43 = arith.select %or3A_42, %slice3A_34, %slice3A_35 : vector<256x256xi1>, vector<256x256xf32>
    %select_n3A_44 = arith.select %or3A_42, %slice3A_36, %slice3A_37 : vector<256x256xi1>, vector<256x256xi32>
    %slice3A_45 = vector.extract_strided_slice %select_n3A_43 {offsets = [0, 0], sizes = [256, 128], strides = [1, 1]} : vector<256x256xf32> to vector<256x128xf32>
    %slice3A_46 = vector.extract_strided_slice %select_n3A_43 {offsets = [0, 128], sizes = [256, 128], strides = [1, 1]} : vector<256x256xf32> to vector<256x128xf32>
    %slice3A_47 = vector.extract_strided_slice %select_n3A_44 {offsets = [0, 0], sizes = [256, 128], strides = [1, 1]} : vector<256x256xi32> to vector<256x128xi32>
    %slice3A_48 = vector.extract_strided_slice %select_n3A_44 {offsets = [0, 128], sizes = [256, 128], strides = [1, 1]} : vector<256x256xi32> to vector<256x128xi32>
    %lt3A_49 = arith.cmpf olt, %slice3A_45, %slice3A_46 : vector<256x128xf32>
    %eq3A_50 = arith.cmpf oeq, %slice3A_45, %slice3A_46 : vector<256x128xf32>
    %lt3A_51 = arith.cmpi slt, %slice3A_47, %slice3A_48 : vector<256x128xi32>
    %and3A_52 = arith.andi %eq3A_50, %lt3A_51 : vector<256x128xi1>
    %or3A_53 = arith.ori %lt3A_49, %and3A_52 : vector<256x128xi1>
    %select_n3A_54 = arith.select %or3A_53, %slice3A_45, %slice3A_46 : vector<256x128xi1>, vector<256x128xf32>
    %select_n3A_55 = arith.select %or3A_53, %slice3A_47, %slice3A_48 : vector<256x128xi1>, vector<256x128xi32>
    %slice3A_56 = vector.extract_strided_slice %select_n3A_54 {offsets = [0, 0], sizes = [256, 64], strides = [1, 1]} : vector<256x128xf32> to vector<256x64xf32>
    %slice3A_57 = vector.extract_strided_slice %select_n3A_54 {offsets = [0, 64], sizes = [256, 64], strides = [1, 1]} : vector<256x128xf32> to vector<256x64xf32>
    %slice3A_58 = vector.extract_strided_slice %select_n3A_55 {offsets = [0, 0], sizes = [256, 64], strides = [1, 1]} : vector<256x128xi32> to vector<256x64xi32>
    %slice3A_59 = vector.extract_strided_slice %select_n3A_55 {offsets = [0, 64], sizes = [256, 64], strides = [1, 1]} : vector<256x128xi32> to vector<256x64xi32>
    %lt3A_60 = arith.cmpf olt, %slice3A_56, %slice3A_57 : vector<256x64xf32>
    %eq3A_61 = arith.cmpf oeq, %slice3A_56, %slice3A_57 : vector<256x64xf32>
    %lt3A_62 = arith.cmpi slt, %slice3A_58, %slice3A_59 : vector<256x64xi32>
    %and3A_63 = arith.andi %eq3A_61, %lt3A_62 : vector<256x64xi1>
    %or3A_64 = arith.ori %lt3A_60, %and3A_63 : vector<256x64xi1>
    %select_n3A_65 = arith.select %or3A_64, %slice3A_56, %slice3A_57 : vector<256x64xi1>, vector<256x64xf32>
    %select_n3A_66 = arith.select %or3A_64, %slice3A_58, %slice3A_59 : vector<256x64xi1>, vector<256x64xi32>
    %slice3A_67 = vector.extract_strided_slice %select_n3A_65 {offsets = [0, 0], sizes = [256, 32], strides = [1, 1]} : vector<256x64xf32> to vector<256x32xf32>
    %slice3A_68 = vector.extract_strided_slice %select_n3A_65 {offsets = [0, 32], sizes = [256, 32], strides = [1, 1]} : vector<256x64xf32> to vector<256x32xf32>
    %slice3A_69 = vector.extract_strided_slice %select_n3A_66 {offsets = [0, 0], sizes = [256, 32], strides = [1, 1]} : vector<256x64xi32> to vector<256x32xi32>
    %slice3A_70 = vector.extract_strided_slice %select_n3A_66 {offsets = [0, 32], sizes = [256, 32], strides = [1, 1]} : vector<256x64xi32> to vector<256x32xi32>
    %lt3A_71 = arith.cmpf olt, %slice3A_67, %slice3A_68 : vector<256x32xf32>
    %eq3A_72 = arith.cmpf oeq, %slice3A_67, %slice3A_68 : vector<256x32xf32>
    %lt3A_73 = arith.cmpi slt, %slice3A_69, %slice3A_70 : vector<256x32xi32>
    %and3A_74 = arith.andi %eq3A_72, %lt3A_73 : vector<256x32xi1>
    %or3A_75 = arith.ori %lt3A_71, %and3A_74 : vector<256x32xi1>
    %select_n3A_76 = arith.select %or3A_75, %slice3A_67, %slice3A_68 : vector<256x32xi1>, vector<256x32xf32>
    %select_n3A_77 = arith.select %or3A_75, %slice3A_69, %slice3A_70 : vector<256x32xi1>, vector<256x32xi32>
    %slice3A_78 = vector.extract_strided_slice %select_n3A_76 {offsets = [0, 0], sizes = [256, 16], strides = [1, 1]} : vector<256x32xf32> to vector<256x16xf32>
    %slice3A_79 = vector.extract_strided_slice %select_n3A_76 {offsets = [0, 16], sizes = [256, 16], strides = [1, 1]} : vector<256x32xf32> to vector<256x16xf32>
    %slice3A_80 = vector.extract_strided_slice %select_n3A_77 {offsets = [0, 0], sizes = [256, 16], strides = [1, 1]} : vector<256x32xi32> to vector<256x16xi32>
    %slice3A_81 = vector.extract_strided_slice %select_n3A_77 {offsets = [0, 16], sizes = [256, 16], strides = [1, 1]} : vector<256x32xi32> to vector<256x16xi32>
    %lt3A_82 = arith.cmpf olt, %slice3A_78, %slice3A_79 : vector<256x16xf32>
    %eq3A_83 = arith.cmpf oeq, %slice3A_78, %slice3A_79 : vector<256x16xf32>
    %lt3A_84 = arith.cmpi slt, %slice3A_80, %slice3A_81 : vector<256x16xi32>
    %and3A_85 = arith.andi %eq3A_83, %lt3A_84 : vector<256x16xi1>
    %or3A_86 = arith.ori %lt3A_82, %and3A_85 : vector<256x16xi1>
    %select_n3A_87 = arith.select %or3A_86, %slice3A_78, %slice3A_79 : vector<256x16xi1>, vector<256x16xf32>
    %select_n3A_88 = arith.select %or3A_86, %slice3A_80, %slice3A_81 : vector<256x16xi1>, vector<256x16xi32>
    %slice3A_89 = vector.extract_strided_slice %select_n3A_87 {offsets = [0, 0], sizes = [256, 8], strides = [1, 1]} : vector<256x16xf32> to vector<256x8xf32>
    %slice3A_90 = vector.extract_strided_slice %select_n3A_87 {offsets = [0, 8], sizes = [256, 8], strides = [1, 1]} : vector<256x16xf32> to vector<256x8xf32>
    %slice3A_91 = vector.extract_strided_slice %select_n3A_88 {offsets = [0, 0], sizes = [256, 8], strides = [1, 1]} : vector<256x16xi32> to vector<256x8xi32>
    %slice3A_92 = vector.extract_strided_slice %select_n3A_88 {offsets = [0, 8], sizes = [256, 8], strides = [1, 1]} : vector<256x16xi32> to vector<256x8xi32>
    %lt3A_93 = arith.cmpf olt, %slice3A_89, %slice3A_90 : vector<256x8xf32>
    %eq3A_94 = arith.cmpf oeq, %slice3A_89, %slice3A_90 : vector<256x8xf32>
    %lt3A_95 = arith.cmpi slt, %slice3A_91, %slice3A_92 : vector<256x8xi32>
    %and3A_96 = arith.andi %eq3A_94, %lt3A_95 : vector<256x8xi1>
    %or3A_97 = arith.ori %lt3A_93, %and3A_96 : vector<256x8xi1>
    %select_n3A_98 = arith.select %or3A_97, %slice3A_89, %slice3A_90 : vector<256x8xi1>, vector<256x8xf32>
    %select_n3A_99 = arith.select %or3A_97, %slice3A_91, %slice3A_92 : vector<256x8xi1>, vector<256x8xi32>
    %slice3A_100 = vector.extract_strided_slice %sub3A {offsets = [0, 2048], sizes = [256, 2048], strides = [1, 1]} : vector<256x8192xf32> to vector<256x2048xf32>
    %slice3A_101 = vector.extract_strided_slice %iota3A {offsets = [0, 2048], sizes = [256, 2048], strides = [1, 1]} : vector<256x8192xi32> to vector<256x2048xi32>
    %slice3A_102 = vector.extract_strided_slice %slice3A_100 {offsets = [0, 0], sizes = [256, 1024], strides = [1, 1]} : vector<256x2048xf32> to vector<256x1024xf32>
    %slice3A_103 = vector.extract_strided_slice %slice3A_100 {offsets = [0, 1024], sizes = [256, 1024], strides = [1, 1]} : vector<256x2048xf32> to vector<256x1024xf32>
    %slice3A_104 = vector.extract_strided_slice %slice3A_101 {offsets = [0, 0], sizes = [256, 1024], strides = [1, 1]} : vector<256x2048xi32> to vector<256x1024xi32>
    %slice3A_105 = vector.extract_strided_slice %slice3A_101 {offsets = [0, 1024], sizes = [256, 1024], strides = [1, 1]} : vector<256x2048xi32> to vector<256x1024xi32>
    %lt3A_106 = arith.cmpf olt, %slice3A_102, %slice3A_103 : vector<256x1024xf32>
    %eq3A_107 = arith.cmpf oeq, %slice3A_102, %slice3A_103 : vector<256x1024xf32>
    %lt3A_108 = arith.cmpi slt, %slice3A_104, %slice3A_105 : vector<256x1024xi32>
    %and3A_109 = arith.andi %eq3A_107, %lt3A_108 : vector<256x1024xi1>
    %or3A_110 = arith.ori %lt3A_106, %and3A_109 : vector<256x1024xi1>
    %select_n3A_111 = arith.select %or3A_110, %slice3A_102, %slice3A_103 : vector<256x1024xi1>, vector<256x1024xf32>
    %select_n3A_112 = arith.select %or3A_110, %slice3A_104, %slice3A_105 : vector<256x1024xi1>, vector<256x1024xi32>
    %slice3A_113 = vector.extract_strided_slice %select_n3A_111 {offsets = [0, 0], sizes = [256, 512], strides = [1, 1]} : vector<256x1024xf32> to vector<256x512xf32>
    %slice3A_114 = vector.extract_strided_slice %select_n3A_111 {offsets = [0, 512], sizes = [256, 512], strides = [1, 1]} : vector<256x1024xf32> to vector<256x512xf32>
    %slice3A_115 = vector.extract_strided_slice %select_n3A_112 {offsets = [0, 0], sizes = [256, 512], strides = [1, 1]} : vector<256x1024xi32> to vector<256x512xi32>
    %slice3A_116 = vector.extract_strided_slice %select_n3A_112 {offsets = [0, 512], sizes = [256, 512], strides = [1, 1]} : vector<256x1024xi32> to vector<256x512xi32>
    %lt3A_117 = arith.cmpf olt, %slice3A_113, %slice3A_114 : vector<256x512xf32>
    %eq3A_118 = arith.cmpf oeq, %slice3A_113, %slice3A_114 : vector<256x512xf32>
    %lt3A_119 = arith.cmpi slt, %slice3A_115, %slice3A_116 : vector<256x512xi32>
    %and3A_120 = arith.andi %eq3A_118, %lt3A_119 : vector<256x512xi1>
    %or3A_121 = arith.ori %lt3A_117, %and3A_120 : vector<256x512xi1>
    %select_n3A_122 = arith.select %or3A_121, %slice3A_113, %slice3A_114 : vector<256x512xi1>, vector<256x512xf32>
    %select_n3A_123 = arith.select %or3A_121, %slice3A_115, %slice3A_116 : vector<256x512xi1>, vector<256x512xi32>
    %slice3A_124 = vector.extract_strided_slice %select_n3A_122 {offsets = [0, 0], sizes = [256, 256], strides = [1, 1]} : vector<256x512xf32> to vector<256x256xf32>
    %slice3A_125 = vector.extract_strided_slice %select_n3A_122 {offsets = [0, 256], sizes = [256, 256], strides = [1, 1]} : vector<256x512xf32> to vector<256x256xf32>
    %slice3A_126 = vector.extract_strided_slice %select_n3A_123 {offsets = [0, 0], sizes = [256, 256], strides = [1, 1]} : vector<256x512xi32> to vector<256x256xi32>
    %slice3A_127 = vector.extract_strided_slice %select_n3A_123 {offsets = [0, 256], sizes = [256, 256], strides = [1, 1]} : vector<256x512xi32> to vector<256x256xi32>
    %lt3A_128 = arith.cmpf olt, %slice3A_124, %slice3A_125 : vector<256x256xf32>
    %eq3A_129 = arith.cmpf oeq, %slice3A_124, %slice3A_125 : vector<256x256xf32>
    %lt3A_130 = arith.cmpi slt, %slice3A_126, %slice3A_127 : vector<256x256xi32>
    %and3A_131 = arith.andi %eq3A_129, %lt3A_130 : vector<256x256xi1>
    %or3A_132 = arith.ori %lt3A_128, %and3A_131 : vector<256x256xi1>
    %select_n3A_133 = arith.select %or3A_132, %slice3A_124, %slice3A_125 : vector<256x256xi1>, vector<256x256xf32>
    %select_n3A_134 = arith.select %or3A_132, %slice3A_126, %slice3A_127 : vector<256x256xi1>, vector<256x256xi32>
    %slice3A_135 = vector.extract_strided_slice %select_n3A_133 {offsets = [0, 0], sizes = [256, 128], strides = [1, 1]} : vector<256x256xf32> to vector<256x128xf32>
    %slice3A_136 = vector.extract_strided_slice %select_n3A_133 {offsets = [0, 128], sizes = [256, 128], strides = [1, 1]} : vector<256x256xf32> to vector<256x128xf32>
    %slice3A_137 = vector.extract_strided_slice %select_n3A_134 {offsets = [0, 0], sizes = [256, 128], strides = [1, 1]} : vector<256x256xi32> to vector<256x128xi32>
    %slice3A_138 = vector.extract_strided_slice %select_n3A_134 {offsets = [0, 128], sizes = [256, 128], strides = [1, 1]} : vector<256x256xi32> to vector<256x128xi32>
    %lt3A_139 = arith.cmpf olt, %slice3A_135, %slice3A_136 : vector<256x128xf32>
    %eq3A_140 = arith.cmpf oeq, %slice3A_135, %slice3A_136 : vector<256x128xf32>
    %lt3A_141 = arith.cmpi slt, %slice3A_137, %slice3A_138 : vector<256x128xi32>
    %and3A_142 = arith.andi %eq3A_140, %lt3A_141 : vector<256x128xi1>
    %or3A_143 = arith.ori %lt3A_139, %and3A_142 : vector<256x128xi1>
    %select_n3A_144 = arith.select %or3A_143, %slice3A_135, %slice3A_136 : vector<256x128xi1>, vector<256x128xf32>
    %select_n3A_145 = arith.select %or3A_143, %slice3A_137, %slice3A_138 : vector<256x128xi1>, vector<256x128xi32>
    %slice3A_146 = vector.extract_strided_slice %select_n3A_144 {offsets = [0, 0], sizes = [256, 64], strides = [1, 1]} : vector<256x128xf32> to vector<256x64xf32>
    %slice3A_147 = vector.extract_strided_slice %select_n3A_144 {offsets = [0, 64], sizes = [256, 64], strides = [1, 1]} : vector<256x128xf32> to vector<256x64xf32>
    %slice3A_148 = vector.extract_strided_slice %select_n3A_145 {offsets = [0, 0], sizes = [256, 64], strides = [1, 1]} : vector<256x128xi32> to vector<256x64xi32>
    %slice3A_149 = vector.extract_strided_slice %select_n3A_145 {offsets = [0, 64], sizes = [256, 64], strides = [1, 1]} : vector<256x128xi32> to vector<256x64xi32>
    %lt3A_150 = arith.cmpf olt, %slice3A_146, %slice3A_147 : vector<256x64xf32>
    %eq3A_151 = arith.cmpf oeq, %slice3A_146, %slice3A_147 : vector<256x64xf32>
    %lt3A_152 = arith.cmpi slt, %slice3A_148, %slice3A_149 : vector<256x64xi32>
    %and3A_153 = arith.andi %eq3A_151, %lt3A_152 : vector<256x64xi1>
    %or3A_154 = arith.ori %lt3A_150, %and3A_153 : vector<256x64xi1>
    %select_n3A_155 = arith.select %or3A_154, %slice3A_146, %slice3A_147 : vector<256x64xi1>, vector<256x64xf32>
    %select_n3A_156 = arith.select %or3A_154, %slice3A_148, %slice3A_149 : vector<256x64xi1>, vector<256x64xi32>
    %slice3A_157 = vector.extract_strided_slice %select_n3A_155 {offsets = [0, 0], sizes = [256, 32], strides = [1, 1]} : vector<256x64xf32> to vector<256x32xf32>
    %slice3A_158 = vector.extract_strided_slice %select_n3A_155 {offsets = [0, 32], sizes = [256, 32], strides = [1, 1]} : vector<256x64xf32> to vector<256x32xf32>
    %slice3A_159 = vector.extract_strided_slice %select_n3A_156 {offsets = [0, 0], sizes = [256, 32], strides = [1, 1]} : vector<256x64xi32> to vector<256x32xi32>
    %slice3A_160 = vector.extract_strided_slice %select_n3A_156 {offsets = [0, 32], sizes = [256, 32], strides = [1, 1]} : vector<256x64xi32> to vector<256x32xi32>
    %lt3A_161 = arith.cmpf olt, %slice3A_157, %slice3A_158 : vector<256x32xf32>
    %eq3A_162 = arith.cmpf oeq, %slice3A_157, %slice3A_158 : vector<256x32xf32>
    %lt3A_163 = arith.cmpi slt, %slice3A_159, %slice3A_160 : vector<256x32xi32>
    %and3A_164 = arith.andi %eq3A_162, %lt3A_163 : vector<256x32xi1>
    %or3A_165 = arith.ori %lt3A_161, %and3A_164 : vector<256x32xi1>
    %select_n3A_166 = arith.select %or3A_165, %slice3A_157, %slice3A_158 : vector<256x32xi1>, vector<256x32xf32>
    %select_n3A_167 = arith.select %or3A_165, %slice3A_159, %slice3A_160 : vector<256x32xi1>, vector<256x32xi32>
    %slice3A_168 = vector.extract_strided_slice %select_n3A_166 {offsets = [0, 0], sizes = [256, 16], strides = [1, 1]} : vector<256x32xf32> to vector<256x16xf32>
    %slice3A_169 = vector.extract_strided_slice %select_n3A_166 {offsets = [0, 16], sizes = [256, 16], strides = [1, 1]} : vector<256x32xf32> to vector<256x16xf32>
    %slice3A_170 = vector.extract_strided_slice %select_n3A_167 {offsets = [0, 0], sizes = [256, 16], strides = [1, 1]} : vector<256x32xi32> to vector<256x16xi32>
    %slice3A_171 = vector.extract_strided_slice %select_n3A_167 {offsets = [0, 16], sizes = [256, 16], strides = [1, 1]} : vector<256x32xi32> to vector<256x16xi32>
    %lt3A_172 = arith.cmpf olt, %slice3A_168, %slice3A_169 : vector<256x16xf32>
    %eq3A_173 = arith.cmpf oeq, %slice3A_168, %slice3A_169 : vector<256x16xf32>
    %lt3A_174 = arith.cmpi slt, %slice3A_170, %slice3A_171 : vector<256x16xi32>
    %and3A_175 = arith.andi %eq3A_173, %lt3A_174 : vector<256x16xi1>
    %or3A_176 = arith.ori %lt3A_172, %and3A_175 : vector<256x16xi1>
    %select_n3A_177 = arith.select %or3A_176, %slice3A_168, %slice3A_169 : vector<256x16xi1>, vector<256x16xf32>
    %select_n3A_178 = arith.select %or3A_176, %slice3A_170, %slice3A_171 : vector<256x16xi1>, vector<256x16xi32>
    %slice3A_179 = vector.extract_strided_slice %select_n3A_177 {offsets = [0, 0], sizes = [256, 8], strides = [1, 1]} : vector<256x16xf32> to vector<256x8xf32>
    %slice3A_180 = vector.extract_strided_slice %select_n3A_177 {offsets = [0, 8], sizes = [256, 8], strides = [1, 1]} : vector<256x16xf32> to vector<256x8xf32>
    %slice3A_181 = vector.extract_strided_slice %select_n3A_178 {offsets = [0, 0], sizes = [256, 8], strides = [1, 1]} : vector<256x16xi32> to vector<256x8xi32>
    %slice3A_182 = vector.extract_strided_slice %select_n3A_178 {offsets = [0, 8], sizes = [256, 8], strides = [1, 1]} : vector<256x16xi32> to vector<256x8xi32>
    %lt3A_183 = arith.cmpf olt, %slice3A_179, %slice3A_180 : vector<256x8xf32>
    %eq3A_184 = arith.cmpf oeq, %slice3A_179, %slice3A_180 : vector<256x8xf32>
    %lt3A_185 = arith.cmpi slt, %slice3A_181, %slice3A_182 : vector<256x8xi32>
    %and3A_186 = arith.andi %eq3A_184, %lt3A_185 : vector<256x8xi1>
    %or3A_187 = arith.ori %lt3A_183, %and3A_186 : vector<256x8xi1>
    %select_n3A_188 = arith.select %or3A_187, %slice3A_179, %slice3A_180 : vector<256x8xi1>, vector<256x8xf32>
    %select_n3A_189 = arith.select %or3A_187, %slice3A_181, %slice3A_182 : vector<256x8xi1>, vector<256x8xi32>
    %slice3A_190 = vector.extract_strided_slice %sub3A {offsets = [0, 4096], sizes = [256, 2048], strides = [1, 1]} : vector<256x8192xf32> to vector<256x2048xf32>
    %slice3A_191 = vector.extract_strided_slice %iota3A {offsets = [0, 4096], sizes = [256, 2048], strides = [1, 1]} : vector<256x8192xi32> to vector<256x2048xi32>
    %slice3A_192 = vector.extract_strided_slice %slice3A_190 {offsets = [0, 0], sizes = [256, 1024], strides = [1, 1]} : vector<256x2048xf32> to vector<256x1024xf32>
    %slice3A_193 = vector.extract_strided_slice %slice3A_190 {offsets = [0, 1024], sizes = [256, 1024], strides = [1, 1]} : vector<256x2048xf32> to vector<256x1024xf32>
    %slice3A_194 = vector.extract_strided_slice %slice3A_191 {offsets = [0, 0], sizes = [256, 1024], strides = [1, 1]} : vector<256x2048xi32> to vector<256x1024xi32>
    %slice3A_195 = vector.extract_strided_slice %slice3A_191 {offsets = [0, 1024], sizes = [256, 1024], strides = [1, 1]} : vector<256x2048xi32> to vector<256x1024xi32>
    %lt3A_196 = arith.cmpf olt, %slice3A_192, %slice3A_193 : vector<256x1024xf32>
    %eq3A_197 = arith.cmpf oeq, %slice3A_192, %slice3A_193 : vector<256x1024xf32>
    %lt3A_198 = arith.cmpi slt, %slice3A_194, %slice3A_195 : vector<256x1024xi32>
    %and3A_199 = arith.andi %eq3A_197, %lt3A_198 : vector<256x1024xi1>
    %or3A_200 = arith.ori %lt3A_196, %and3A_199 : vector<256x1024xi1>
    %select_n3A_201 = arith.select %or3A_200, %slice3A_192, %slice3A_193 : vector<256x1024xi1>, vector<256x1024xf32>
    %select_n3A_202 = arith.select %or3A_200, %slice3A_194, %slice3A_195 : vector<256x1024xi1>, vector<256x1024xi32>
    %slice3A_203 = vector.extract_strided_slice %select_n3A_201 {offsets = [0, 0], sizes = [256, 512], strides = [1, 1]} : vector<256x1024xf32> to vector<256x512xf32>
    %slice3A_204 = vector.extract_strided_slice %select_n3A_201 {offsets = [0, 512], sizes = [256, 512], strides = [1, 1]} : vector<256x1024xf32> to vector<256x512xf32>
    %slice3A_205 = vector.extract_strided_slice %select_n3A_202 {offsets = [0, 0], sizes = [256, 512], strides = [1, 1]} : vector<256x1024xi32> to vector<256x512xi32>
    %slice3A_206 = vector.extract_strided_slice %select_n3A_202 {offsets = [0, 512], sizes = [256, 512], strides = [1, 1]} : vector<256x1024xi32> to vector<256x512xi32>
    %lt3A_207 = arith.cmpf olt, %slice3A_203, %slice3A_204 : vector<256x512xf32>
    %eq3A_208 = arith.cmpf oeq, %slice3A_203, %slice3A_204 : vector<256x512xf32>
    %lt3A_209 = arith.cmpi slt, %slice3A_205, %slice3A_206 : vector<256x512xi32>
    %and3A_210 = arith.andi %eq3A_208, %lt3A_209 : vector<256x512xi1>
    %or3A_211 = arith.ori %lt3A_207, %and3A_210 : vector<256x512xi1>
    %select_n3A_212 = arith.select %or3A_211, %slice3A_203, %slice3A_204 : vector<256x512xi1>, vector<256x512xf32>
    %select_n3A_213 = arith.select %or3A_211, %slice3A_205, %slice3A_206 : vector<256x512xi1>, vector<256x512xi32>
    %slice3A_214 = vector.extract_strided_slice %select_n3A_212 {offsets = [0, 0], sizes = [256, 256], strides = [1, 1]} : vector<256x512xf32> to vector<256x256xf32>
    %slice3A_215 = vector.extract_strided_slice %select_n3A_212 {offsets = [0, 256], sizes = [256, 256], strides = [1, 1]} : vector<256x512xf32> to vector<256x256xf32>
    %slice3A_216 = vector.extract_strided_slice %select_n3A_213 {offsets = [0, 0], sizes = [256, 256], strides = [1, 1]} : vector<256x512xi32> to vector<256x256xi32>
    %slice3A_217 = vector.extract_strided_slice %select_n3A_213 {offsets = [0, 256], sizes = [256, 256], strides = [1, 1]} : vector<256x512xi32> to vector<256x256xi32>
    %lt3A_218 = arith.cmpf olt, %slice3A_214, %slice3A_215 : vector<256x256xf32>
    %eq3A_219 = arith.cmpf oeq, %slice3A_214, %slice3A_215 : vector<256x256xf32>
    %lt3A_220 = arith.cmpi slt, %slice3A_216, %slice3A_217 : vector<256x256xi32>
    %and3A_221 = arith.andi %eq3A_219, %lt3A_220 : vector<256x256xi1>
    %or3A_222 = arith.ori %lt3A_218, %and3A_221 : vector<256x256xi1>
    %select_n3A_223 = arith.select %or3A_222, %slice3A_214, %slice3A_215 : vector<256x256xi1>, vector<256x256xf32>
    %select_n3A_224 = arith.select %or3A_222, %slice3A_216, %slice3A_217 : vector<256x256xi1>, vector<256x256xi32>
    %slice3A_225 = vector.extract_strided_slice %select_n3A_223 {offsets = [0, 0], sizes = [256, 128], strides = [1, 1]} : vector<256x256xf32> to vector<256x128xf32>
    %slice3A_226 = vector.extract_strided_slice %select_n3A_223 {offsets = [0, 128], sizes = [256, 128], strides = [1, 1]} : vector<256x256xf32> to vector<256x128xf32>
    %slice3A_227 = vector.extract_strided_slice %select_n3A_224 {offsets = [0, 0], sizes = [256, 128], strides = [1, 1]} : vector<256x256xi32> to vector<256x128xi32>
    %slice3A_228 = vector.extract_strided_slice %select_n3A_224 {offsets = [0, 128], sizes = [256, 128], strides = [1, 1]} : vector<256x256xi32> to vector<256x128xi32>
    %lt3A_229 = arith.cmpf olt, %slice3A_225, %slice3A_226 : vector<256x128xf32>
    %eq3A_230 = arith.cmpf oeq, %slice3A_225, %slice3A_226 : vector<256x128xf32>
    %lt3A_231 = arith.cmpi slt, %slice3A_227, %slice3A_228 : vector<256x128xi32>
    %and3A_232 = arith.andi %eq3A_230, %lt3A_231 : vector<256x128xi1>
    %or3A_233 = arith.ori %lt3A_229, %and3A_232 : vector<256x128xi1>
    %select_n3A_234 = arith.select %or3A_233, %slice3A_225, %slice3A_226 : vector<256x128xi1>, vector<256x128xf32>
    %select_n3A_235 = arith.select %or3A_233, %slice3A_227, %slice3A_228 : vector<256x128xi1>, vector<256x128xi32>
    %slice3A_236 = vector.extract_strided_slice %select_n3A_234 {offsets = [0, 0], sizes = [256, 64], strides = [1, 1]} : vector<256x128xf32> to vector<256x64xf32>
    %slice3A_237 = vector.extract_strided_slice %select_n3A_234 {offsets = [0, 64], sizes = [256, 64], strides = [1, 1]} : vector<256x128xf32> to vector<256x64xf32>
    %slice3A_238 = vector.extract_strided_slice %select_n3A_235 {offsets = [0, 0], sizes = [256, 64], strides = [1, 1]} : vector<256x128xi32> to vector<256x64xi32>
    %slice3A_239 = vector.extract_strided_slice %select_n3A_235 {offsets = [0, 64], sizes = [256, 64], strides = [1, 1]} : vector<256x128xi32> to vector<256x64xi32>
    %lt3A_240 = arith.cmpf olt, %slice3A_236, %slice3A_237 : vector<256x64xf32>
    %eq3A_241 = arith.cmpf oeq, %slice3A_236, %slice3A_237 : vector<256x64xf32>
    %lt3A_242 = arith.cmpi slt, %slice3A_238, %slice3A_239 : vector<256x64xi32>
    %and3A_243 = arith.andi %eq3A_241, %lt3A_242 : vector<256x64xi1>
    %or3A_244 = arith.ori %lt3A_240, %and3A_243 : vector<256x64xi1>
    %select_n3A_245 = arith.select %or3A_244, %slice3A_236, %slice3A_237 : vector<256x64xi1>, vector<256x64xf32>
    %select_n3A_246 = arith.select %or3A_244, %slice3A_238, %slice3A_239 : vector<256x64xi1>, vector<256x64xi32>
    %slice3A_247 = vector.extract_strided_slice %select_n3A_245 {offsets = [0, 0], sizes = [256, 32], strides = [1, 1]} : vector<256x64xf32> to vector<256x32xf32>
    %slice3A_248 = vector.extract_strided_slice %select_n3A_245 {offsets = [0, 32], sizes = [256, 32], strides = [1, 1]} : vector<256x64xf32> to vector<256x32xf32>
    %slice3A_249 = vector.extract_strided_slice %select_n3A_246 {offsets = [0, 0], sizes = [256, 32], strides = [1, 1]} : vector<256x64xi32> to vector<256x32xi32>
    %slice3A_250 = vector.extract_strided_slice %select_n3A_246 {offsets = [0, 32], sizes = [256, 32], strides = [1, 1]} : vector<256x64xi32> to vector<256x32xi32>
    %lt3A_251 = arith.cmpf olt, %slice3A_247, %slice3A_248 : vector<256x32xf32>
    %eq3A_252 = arith.cmpf oeq, %slice3A_247, %slice3A_248 : vector<256x32xf32>
    %lt3A_253 = arith.cmpi slt, %slice3A_249, %slice3A_250 : vector<256x32xi32>
    %and3A_254 = arith.andi %eq3A_252, %lt3A_253 : vector<256x32xi1>
    %or3A_255 = arith.ori %lt3A_251, %and3A_254 : vector<256x32xi1>
    %select_n3A_256 = arith.select %or3A_255, %slice3A_247, %slice3A_248 : vector<256x32xi1>, vector<256x32xf32>
    %select_n3A_257 = arith.select %or3A_255, %slice3A_249, %slice3A_250 : vector<256x32xi1>, vector<256x32xi32>
    %slice3A_258 = vector.extract_strided_slice %select_n3A_256 {offsets = [0, 0], sizes = [256, 16], strides = [1, 1]} : vector<256x32xf32> to vector<256x16xf32>
    %slice3A_259 = vector.extract_strided_slice %select_n3A_256 {offsets = [0, 16], sizes = [256, 16], strides = [1, 1]} : vector<256x32xf32> to vector<256x16xf32>
    %slice3A_260 = vector.extract_strided_slice %select_n3A_257 {offsets = [0, 0], sizes = [256, 16], strides = [1, 1]} : vector<256x32xi32> to vector<256x16xi32>
    %slice3A_261 = vector.extract_strided_slice %select_n3A_257 {offsets = [0, 16], sizes = [256, 16], strides = [1, 1]} : vector<256x32xi32> to vector<256x16xi32>
    %lt3A_262 = arith.cmpf olt, %slice3A_258, %slice3A_259 : vector<256x16xf32>
    %eq3A_263 = arith.cmpf oeq, %slice3A_258, %slice3A_259 : vector<256x16xf32>
    %lt3A_264 = arith.cmpi slt, %slice3A_260, %slice3A_261 : vector<256x16xi32>
    %and3A_265 = arith.andi %eq3A_263, %lt3A_264 : vector<256x16xi1>
    %or3A_266 = arith.ori %lt3A_262, %and3A_265 : vector<256x16xi1>
    %select_n3A_267 = arith.select %or3A_266, %slice3A_258, %slice3A_259 : vector<256x16xi1>, vector<256x16xf32>
    %select_n3A_268 = arith.select %or3A_266, %slice3A_260, %slice3A_261 : vector<256x16xi1>, vector<256x16xi32>
    %slice3A_269 = vector.extract_strided_slice %select_n3A_267 {offsets = [0, 0], sizes = [256, 8], strides = [1, 1]} : vector<256x16xf32> to vector<256x8xf32>
    %slice3A_270 = vector.extract_strided_slice %select_n3A_267 {offsets = [0, 8], sizes = [256, 8], strides = [1, 1]} : vector<256x16xf32> to vector<256x8xf32>
    %slice3A_271 = vector.extract_strided_slice %select_n3A_268 {offsets = [0, 0], sizes = [256, 8], strides = [1, 1]} : vector<256x16xi32> to vector<256x8xi32>
    %slice3A_272 = vector.extract_strided_slice %select_n3A_268 {offsets = [0, 8], sizes = [256, 8], strides = [1, 1]} : vector<256x16xi32> to vector<256x8xi32>
    %lt3A_273 = arith.cmpf olt, %slice3A_269, %slice3A_270 : vector<256x8xf32>
    %eq3A_274 = arith.cmpf oeq, %slice3A_269, %slice3A_270 : vector<256x8xf32>
    %lt3A_275 = arith.cmpi slt, %slice3A_271, %slice3A_272 : vector<256x8xi32>
    %and3A_276 = arith.andi %eq3A_274, %lt3A_275 : vector<256x8xi1>
    %or3A_277 = arith.ori %lt3A_273, %and3A_276 : vector<256x8xi1>
    %select_n3A_278 = arith.select %or3A_277, %slice3A_269, %slice3A_270 : vector<256x8xi1>, vector<256x8xf32>
    %select_n3A_279 = arith.select %or3A_277, %slice3A_271, %slice3A_272 : vector<256x8xi1>, vector<256x8xi32>
    %slice3A_280 = vector.extract_strided_slice %sub3A {offsets = [0, 6144], sizes = [256, 2048], strides = [1, 1]} : vector<256x8192xf32> to vector<256x2048xf32>
    %slice3A_281 = vector.extract_strided_slice %iota3A {offsets = [0, 6144], sizes = [256, 2048], strides = [1, 1]} : vector<256x8192xi32> to vector<256x2048xi32>
    %slice3A_282 = vector.extract_strided_slice %slice3A_280 {offsets = [0, 0], sizes = [256, 1024], strides = [1, 1]} : vector<256x2048xf32> to vector<256x1024xf32>
    %slice3A_283 = vector.extract_strided_slice %slice3A_280 {offsets = [0, 1024], sizes = [256, 1024], strides = [1, 1]} : vector<256x2048xf32> to vector<256x1024xf32>
    %slice3A_284 = vector.extract_strided_slice %slice3A_281 {offsets = [0, 0], sizes = [256, 1024], strides = [1, 1]} : vector<256x2048xi32> to vector<256x1024xi32>
    %slice3A_285 = vector.extract_strided_slice %slice3A_281 {offsets = [0, 1024], sizes = [256, 1024], strides = [1, 1]} : vector<256x2048xi32> to vector<256x1024xi32>
    %lt3A_286 = arith.cmpf olt, %slice3A_282, %slice3A_283 : vector<256x1024xf32>
    %eq3A_287 = arith.cmpf oeq, %slice3A_282, %slice3A_283 : vector<256x1024xf32>
    %lt3A_288 = arith.cmpi slt, %slice3A_284, %slice3A_285 : vector<256x1024xi32>
    %and3A_289 = arith.andi %eq3A_287, %lt3A_288 : vector<256x1024xi1>
    %or3A_290 = arith.ori %lt3A_286, %and3A_289 : vector<256x1024xi1>
    %select_n3A_291 = arith.select %or3A_290, %slice3A_282, %slice3A_283 : vector<256x1024xi1>, vector<256x1024xf32>
    %select_n3A_292 = arith.select %or3A_290, %slice3A_284, %slice3A_285 : vector<256x1024xi1>, vector<256x1024xi32>
    %slice3A_293 = vector.extract_strided_slice %select_n3A_291 {offsets = [0, 0], sizes = [256, 512], strides = [1, 1]} : vector<256x1024xf32> to vector<256x512xf32>
    %slice3A_294 = vector.extract_strided_slice %select_n3A_291 {offsets = [0, 512], sizes = [256, 512], strides = [1, 1]} : vector<256x1024xf32> to vector<256x512xf32>
    %slice3A_295 = vector.extract_strided_slice %select_n3A_292 {offsets = [0, 0], sizes = [256, 512], strides = [1, 1]} : vector<256x1024xi32> to vector<256x512xi32>
    %slice3A_296 = vector.extract_strided_slice %select_n3A_292 {offsets = [0, 512], sizes = [256, 512], strides = [1, 1]} : vector<256x1024xi32> to vector<256x512xi32>
    %lt3A_297 = arith.cmpf olt, %slice3A_293, %slice3A_294 : vector<256x512xf32>
    %eq3A_298 = arith.cmpf oeq, %slice3A_293, %slice3A_294 : vector<256x512xf32>
    %lt3A_299 = arith.cmpi slt, %slice3A_295, %slice3A_296 : vector<256x512xi32>
    %and3A_300 = arith.andi %eq3A_298, %lt3A_299 : vector<256x512xi1>
    %or3A_301 = arith.ori %lt3A_297, %and3A_300 : vector<256x512xi1>
    %select_n3A_302 = arith.select %or3A_301, %slice3A_293, %slice3A_294 : vector<256x512xi1>, vector<256x512xf32>
    %select_n3A_303 = arith.select %or3A_301, %slice3A_295, %slice3A_296 : vector<256x512xi1>, vector<256x512xi32>
    %slice3A_304 = vector.extract_strided_slice %select_n3A_302 {offsets = [0, 0], sizes = [256, 256], strides = [1, 1]} : vector<256x512xf32> to vector<256x256xf32>
    %slice3A_305 = vector.extract_strided_slice %select_n3A_302 {offsets = [0, 256], sizes = [256, 256], strides = [1, 1]} : vector<256x512xf32> to vector<256x256xf32>
    %slice3A_306 = vector.extract_strided_slice %select_n3A_303 {offsets = [0, 0], sizes = [256, 256], strides = [1, 1]} : vector<256x512xi32> to vector<256x256xi32>
    %slice3A_307 = vector.extract_strided_slice %select_n3A_303 {offsets = [0, 256], sizes = [256, 256], strides = [1, 1]} : vector<256x512xi32> to vector<256x256xi32>
    %lt3A_308 = arith.cmpf olt, %slice3A_304, %slice3A_305 : vector<256x256xf32>
    %eq3A_309 = arith.cmpf oeq, %slice3A_304, %slice3A_305 : vector<256x256xf32>
    %lt3A_310 = arith.cmpi slt, %slice3A_306, %slice3A_307 : vector<256x256xi32>
    %and3A_311 = arith.andi %eq3A_309, %lt3A_310 : vector<256x256xi1>
    %or3A_312 = arith.ori %lt3A_308, %and3A_311 : vector<256x256xi1>
    %select_n3A_313 = arith.select %or3A_312, %slice3A_304, %slice3A_305 : vector<256x256xi1>, vector<256x256xf32>
    %select_n3A_314 = arith.select %or3A_312, %slice3A_306, %slice3A_307 : vector<256x256xi1>, vector<256x256xi32>
    %slice3A_315 = vector.extract_strided_slice %select_n3A_313 {offsets = [0, 0], sizes = [256, 128], strides = [1, 1]} : vector<256x256xf32> to vector<256x128xf32>
    %slice3A_316 = vector.extract_strided_slice %select_n3A_313 {offsets = [0, 128], sizes = [256, 128], strides = [1, 1]} : vector<256x256xf32> to vector<256x128xf32>
    %slice3A_317 = vector.extract_strided_slice %select_n3A_314 {offsets = [0, 0], sizes = [256, 128], strides = [1, 1]} : vector<256x256xi32> to vector<256x128xi32>
    %slice3A_318 = vector.extract_strided_slice %select_n3A_314 {offsets = [0, 128], sizes = [256, 128], strides = [1, 1]} : vector<256x256xi32> to vector<256x128xi32>
    %lt3A_319 = arith.cmpf olt, %slice3A_315, %slice3A_316 : vector<256x128xf32>
    %eq3A_320 = arith.cmpf oeq, %slice3A_315, %slice3A_316 : vector<256x128xf32>
    %lt3A_321 = arith.cmpi slt, %slice3A_317, %slice3A_318 : vector<256x128xi32>
    %and3A_322 = arith.andi %eq3A_320, %lt3A_321 : vector<256x128xi1>
    %or3A_323 = arith.ori %lt3A_319, %and3A_322 : vector<256x128xi1>
    %select_n3A_324 = arith.select %or3A_323, %slice3A_315, %slice3A_316 : vector<256x128xi1>, vector<256x128xf32>
    %select_n3A_325 = arith.select %or3A_323, %slice3A_317, %slice3A_318 : vector<256x128xi1>, vector<256x128xi32>
    %slice3A_326 = vector.extract_strided_slice %select_n3A_324 {offsets = [0, 0], sizes = [256, 64], strides = [1, 1]} : vector<256x128xf32> to vector<256x64xf32>
    %slice3A_327 = vector.extract_strided_slice %select_n3A_324 {offsets = [0, 64], sizes = [256, 64], strides = [1, 1]} : vector<256x128xf32> to vector<256x64xf32>
    %slice3A_328 = vector.extract_strided_slice %select_n3A_325 {offsets = [0, 0], sizes = [256, 64], strides = [1, 1]} : vector<256x128xi32> to vector<256x64xi32>
    %slice3A_329 = vector.extract_strided_slice %select_n3A_325 {offsets = [0, 64], sizes = [256, 64], strides = [1, 1]} : vector<256x128xi32> to vector<256x64xi32>
    %lt3A_330 = arith.cmpf olt, %slice3A_326, %slice3A_327 : vector<256x64xf32>
    %eq3A_331 = arith.cmpf oeq, %slice3A_326, %slice3A_327 : vector<256x64xf32>
    %lt3A_332 = arith.cmpi slt, %slice3A_328, %slice3A_329 : vector<256x64xi32>
    %and3A_333 = arith.andi %eq3A_331, %lt3A_332 : vector<256x64xi1>
    %or3A_334 = arith.ori %lt3A_330, %and3A_333 : vector<256x64xi1>
    %select_n3A_335 = arith.select %or3A_334, %slice3A_326, %slice3A_327 : vector<256x64xi1>, vector<256x64xf32>
    %select_n3A_336 = arith.select %or3A_334, %slice3A_328, %slice3A_329 : vector<256x64xi1>, vector<256x64xi32>
    %slice3A_337 = vector.extract_strided_slice %select_n3A_335 {offsets = [0, 0], sizes = [256, 32], strides = [1, 1]} : vector<256x64xf32> to vector<256x32xf32>
    %slice3A_338 = vector.extract_strided_slice %select_n3A_335 {offsets = [0, 32], sizes = [256, 32], strides = [1, 1]} : vector<256x64xf32> to vector<256x32xf32>
    %slice3A_339 = vector.extract_strided_slice %select_n3A_336 {offsets = [0, 0], sizes = [256, 32], strides = [1, 1]} : vector<256x64xi32> to vector<256x32xi32>
    %slice3A_340 = vector.extract_strided_slice %select_n3A_336 {offsets = [0, 32], sizes = [256, 32], strides = [1, 1]} : vector<256x64xi32> to vector<256x32xi32>
    %lt3A_341 = arith.cmpf olt, %slice3A_337, %slice3A_338 : vector<256x32xf32>
    %eq3A_342 = arith.cmpf oeq, %slice3A_337, %slice3A_338 : vector<256x32xf32>
    %lt3A_343 = arith.cmpi slt, %slice3A_339, %slice3A_340 : vector<256x32xi32>
    %and3A_344 = arith.andi %eq3A_342, %lt3A_343 : vector<256x32xi1>
    %or3A_345 = arith.ori %lt3A_341, %and3A_344 : vector<256x32xi1>
    %select_n3A_346 = arith.select %or3A_345, %slice3A_337, %slice3A_338 : vector<256x32xi1>, vector<256x32xf32>
    %select_n3A_347 = arith.select %or3A_345, %slice3A_339, %slice3A_340 : vector<256x32xi1>, vector<256x32xi32>
    %slice3A_348 = vector.extract_strided_slice %select_n3A_346 {offsets = [0, 0], sizes = [256, 16], strides = [1, 1]} : vector<256x32xf32> to vector<256x16xf32>
    %slice3A_349 = vector.extract_strided_slice %select_n3A_346 {offsets = [0, 16], sizes = [256, 16], strides = [1, 1]} : vector<256x32xf32> to vector<256x16xf32>
    %slice3A_350 = vector.extract_strided_slice %select_n3A_347 {offsets = [0, 0], sizes = [256, 16], strides = [1, 1]} : vector<256x32xi32> to vector<256x16xi32>
    %slice3A_351 = vector.extract_strided_slice %select_n3A_347 {offsets = [0, 16], sizes = [256, 16], strides = [1, 1]} : vector<256x32xi32> to vector<256x16xi32>
    %lt3A_352 = arith.cmpf olt, %slice3A_348, %slice3A_349 : vector<256x16xf32>
    %eq3A_353 = arith.cmpf oeq, %slice3A_348, %slice3A_349 : vector<256x16xf32>
    %lt3A_354 = arith.cmpi slt, %slice3A_350, %slice3A_351 : vector<256x16xi32>
    %and3A_355 = arith.andi %eq3A_353, %lt3A_354 : vector<256x16xi1>
    %or3A_356 = arith.ori %lt3A_352, %and3A_355 : vector<256x16xi1>
    %select_n3A_357 = arith.select %or3A_356, %slice3A_348, %slice3A_349 : vector<256x16xi1>, vector<256x16xf32>
    %select_n3A_358 = arith.select %or3A_356, %slice3A_350, %slice3A_351 : vector<256x16xi1>, vector<256x16xi32>
    %slice3A_359 = vector.extract_strided_slice %select_n3A_357 {offsets = [0, 0], sizes = [256, 8], strides = [1, 1]} : vector<256x16xf32> to vector<256x8xf32>
    %slice3A_360 = vector.extract_strided_slice %select_n3A_357 {offsets = [0, 8], sizes = [256, 8], strides = [1, 1]} : vector<256x16xf32> to vector<256x8xf32>
    %slice3A_361 = vector.extract_strided_slice %select_n3A_358 {offsets = [0, 0], sizes = [256, 8], strides = [1, 1]} : vector<256x16xi32> to vector<256x8xi32>
    %slice3A_362 = vector.extract_strided_slice %select_n3A_358 {offsets = [0, 8], sizes = [256, 8], strides = [1, 1]} : vector<256x16xi32> to vector<256x8xi32>
    %lt3A_363 = arith.cmpf olt, %slice3A_359, %slice3A_360 : vector<256x8xf32>
    %eq3A_364 = arith.cmpf oeq, %slice3A_359, %slice3A_360 : vector<256x8xf32>
    %lt3A_365 = arith.cmpi slt, %slice3A_361, %slice3A_362 : vector<256x8xi32>
    %and3A_366 = arith.andi %eq3A_364, %lt3A_365 : vector<256x8xi1>
    %or3A_367 = arith.ori %lt3A_363, %and3A_366 : vector<256x8xi1>
    %select_n3A_368 = arith.select %or3A_367, %slice3A_359, %slice3A_360 : vector<256x8xi1>, vector<256x8xf32>
    %select_n3A_369 = arith.select %or3A_367, %slice3A_361, %slice3A_362 : vector<256x8xi1>, vector<256x8xi32>
    %min3A = arith.minimumf %select_n3A_98, %select_n3A_188 : vector<256x8xf32>
    %lt3A_370 = arith.cmpf olt, %select_n3A_98, %select_n3A_188 : vector<256x8xf32>
    %eq3A_371 = arith.cmpf oeq, %select_n3A_98, %select_n3A_188 : vector<256x8xf32>
    %lt3A_372 = arith.cmpi slt, %select_n3A_99, %select_n3A_189 : vector<256x8xi32>
    %and3A_373 = arith.andi %eq3A_371, %lt3A_372 : vector<256x8xi1>
    %or3A_374 = arith.ori %lt3A_370, %and3A_373 : vector<256x8xi1>
    %select_n3A_375 = arith.select %lt3A_370, %select_n3A_98, %select_n3A_188 : vector<256x8xi1>, vector<256x8xf32>
    %select_n3A_376 = arith.select %or3A_374, %select_n3A_99, %select_n3A_189 : vector<256x8xi1>, vector<256x8xi32>
    %convert_element_type3A = arith.truncf %select_n3A_375 : vector<256x8xf32> to vector<256x8xbf16>
    %convert_element_type3A_377 = arith.extf %convert_element_type3A : vector<256x8xbf16> to vector<256x8xf32>
    %min3A_378 = arith.minimumf %min3A, %select_n3A_278 : vector<256x8xf32>
    %lt3A_379 = arith.cmpf olt, %convert_element_type3A_377, %select_n3A_278 : vector<256x8xf32>
    %eq3A_380 = arith.cmpf oeq, %convert_element_type3A_377, %select_n3A_278 : vector<256x8xf32>
    %lt3A_381 = arith.cmpi slt, %select_n3A_376, %select_n3A_279 : vector<256x8xi32>
    %and3A_382 = arith.andi %eq3A_380, %lt3A_381 : vector<256x8xi1>
    %or3A_383 = arith.ori %lt3A_379, %and3A_382 : vector<256x8xi1>
    %select_n3A_384 = arith.select %lt3A_379, %convert_element_type3A_377, %select_n3A_278 : vector<256x8xi1>, vector<256x8xf32>
    %select_n3A_385 = arith.select %or3A_383, %select_n3A_376, %select_n3A_279 : vector<256x8xi1>, vector<256x8xi32>
    %convert_element_type3A_386 = arith.truncf %select_n3A_384 : vector<256x8xf32> to vector<256x8xbf16>
    %convert_element_type3A_387 = arith.extf %convert_element_type3A_386 : vector<256x8xbf16> to vector<256x8xf32>
    %min3A_388 = arith.minimumf %min3A_378, %select_n3A_368 : vector<256x8xf32>
    %lt3A_389 = arith.cmpf olt, %convert_element_type3A_387, %select_n3A_368 : vector<256x8xf32>
    %eq3A_390 = arith.cmpf oeq, %convert_element_type3A_387, %select_n3A_368 : vector<256x8xf32>
    %lt3A_391 = arith.cmpi slt, %select_n3A_385, %select_n3A_369 : vector<256x8xi32>
    %and3A_392 = arith.andi %eq3A_390, %lt3A_391 : vector<256x8xi1>
    %or3A_393 = arith.ori %lt3A_389, %and3A_392 : vector<256x8xi1>
    %select_n3A_394 = arith.select %lt3A_389, %convert_element_type3A_387, %select_n3A_368 : vector<256x8xi1>, vector<256x8xf32>
    %select_n3A_395 = arith.select %or3A_393, %select_n3A_385, %select_n3A_369 : vector<256x8xi1>, vector<256x8xi32>
    %slice3A_396 = vector.extract_strided_slice %select_n3A_394 {offsets = [0, 0], sizes = [256, 4], strides = [1, 1]} : vector<256x8xf32> to vector<256x4xf32>
    %slice3A_397 = vector.extract_strided_slice %select_n3A_394 {offsets = [0, 4], sizes = [256, 4], strides = [1, 1]} : vector<256x8xf32> to vector<256x4xf32>
    %slice3A_398 = vector.extract_strided_slice %select_n3A_395 {offsets = [0, 0], sizes = [256, 4], strides = [1, 1]} : vector<256x8xi32> to vector<256x4xi32>
    %slice3A_399 = vector.extract_strided_slice %select_n3A_395 {offsets = [0, 4], sizes = [256, 4], strides = [1, 1]} : vector<256x8xi32> to vector<256x4xi32>
    %lt3A_400 = arith.cmpf olt, %slice3A_396, %slice3A_397 : vector<256x4xf32>
    %eq3A_401 = arith.cmpf oeq, %slice3A_396, %slice3A_397 : vector<256x4xf32>
    %lt3A_402 = arith.cmpi slt, %slice3A_398, %slice3A_399 : vector<256x4xi32>
    %and3A_403 = arith.andi %eq3A_401, %lt3A_402 : vector<256x4xi1>
    %or3A_404 = arith.ori %lt3A_400, %and3A_403 : vector<256x4xi1>
    %select_n3A_405 = arith.select %or3A_404, %slice3A_396, %slice3A_397 : vector<256x4xi1>, vector<256x4xf32>
    %select_n3A_406 = arith.select %or3A_404, %slice3A_398, %slice3A_399 : vector<256x4xi1>, vector<256x4xi32>
    %slice3A_407 = vector.extract_strided_slice %select_n3A_405 {offsets = [0, 0], sizes = [256, 2], strides = [1, 1]} : vector<256x4xf32> to vector<256x2xf32>
    %slice3A_408 = vector.extract_strided_slice %select_n3A_405 {offsets = [0, 2], sizes = [256, 2], strides = [1, 1]} : vector<256x4xf32> to vector<256x2xf32>
    %slice3A_409 = vector.extract_strided_slice %select_n3A_406 {offsets = [0, 0], sizes = [256, 2], strides = [1, 1]} : vector<256x4xi32> to vector<256x2xi32>
    %slice3A_410 = vector.extract_strided_slice %select_n3A_406 {offsets = [0, 2], sizes = [256, 2], strides = [1, 1]} : vector<256x4xi32> to vector<256x2xi32>
    %lt3A_411 = arith.cmpf olt, %slice3A_407, %slice3A_408 : vector<256x2xf32>
    %eq3A_412 = arith.cmpf oeq, %slice3A_407, %slice3A_408 : vector<256x2xf32>
    %lt3A_413 = arith.cmpi slt, %slice3A_409, %slice3A_410 : vector<256x2xi32>
    %and3A_414 = arith.andi %eq3A_412, %lt3A_413 : vector<256x2xi1>
    %or3A_415 = arith.ori %lt3A_411, %and3A_414 : vector<256x2xi1>
    %select_n3A_416 = arith.select %or3A_415, %slice3A_407, %slice3A_408 : vector<256x2xi1>, vector<256x2xf32>
    %select_n3A_417 = arith.select %or3A_415, %slice3A_409, %slice3A_410 : vector<256x2xi1>, vector<256x2xi32>
    %slice3A_418 = vector.extract_strided_slice %select_n3A_416 {offsets = [0, 0], sizes = [256, 1], strides = [1, 1]} : vector<256x2xf32> to vector<256x1xf32>
    %slice3A_419 = vector.extract_strided_slice %select_n3A_416 {offsets = [0, 1], sizes = [256, 1], strides = [1, 1]} : vector<256x2xf32> to vector<256x1xf32>
    %slice3A_420 = vector.extract_strided_slice %select_n3A_417 {offsets = [0, 0], sizes = [256, 1], strides = [1, 1]} : vector<256x2xi32> to vector<256x1xi32>
    %slice3A_421 = vector.extract_strided_slice %select_n3A_417 {offsets = [0, 1], sizes = [256, 1], strides = [1, 1]} : vector<256x2xi32> to vector<256x1xi32>
    %lt3A_422 = arith.cmpf olt, %slice3A_418, %slice3A_419 : vector<256x1xf32>
    %eq3A_423 = arith.cmpf oeq, %slice3A_418, %slice3A_419 : vector<256x1xf32>
    %lt3A_424 = arith.cmpi slt, %slice3A_420, %slice3A_421 : vector<256x1xi32>
    %and3A_425 = arith.andi %eq3A_423, %lt3A_424 : vector<256x1xi1>
    %or3A_426 = arith.ori %lt3A_422, %and3A_425 : vector<256x1xi1>
    %select_n3A_427 = arith.select %or3A_426, %slice3A_420, %slice3A_421 : vector<256x1xi1>, vector<256x1xi32>
    %swap3A = arith.constant 0 : index
    %swap3A_428 = arith.constant 0 : index
    %swap3A_429 = vector.load %arg5[%swap3A, %swap3A_428] : memref<256x1xi32, #tpu.memory_space<vmem>>, vector<256x1xi32>
    tpu.vector_store %arg5[%swap3A, %swap3A_428], %select_n3A_427 {strides = array<i32>} : memref<256x1xi32, #tpu.memory_space<vmem>>, vector<256x1xi32>,
    %reduce_min3A = arith.constant dense<0x7F800000> : vector<256xf32>
    %reduce_min3A_430 = vector.multi_reduction <minimumf>, %min3A_388, %reduce_min3A [1] : vector<256x8xf32> to vector<256xf32>
    %broadcast_in_dim3A = vector.shape_cast %reduce_min3A_430 : vector<256xf32> to vector<256x1xf32>
    %reduce_sum3A = vector.shape_cast %broadcast_in_dim3A : vector<256x1xf32> to vector<1x256x1xf32>
    %reduce_sum3A_431 = arith.constant dense<0.000000e+00> : vector<1xf32>
    %reduce_sum3A_432 = vector.multi_reduction <add>, %reduce_sum3A, %reduce_sum3A_431 [1, 2] : vector<1x256x1xf32> to vector<1xf32>
    %reduce_sum3A_433 = vector.shape_cast %reduce_sum3A_432 : vector<1xf32> to vector<1x1x1xf32>
    %reduce_sum3A_434 = vector.extract %reduce_sum3A_433[0, 0, 0] : f32 from vector<1x1x1xf32>
    %eq3A_435 = arith.constant 0 : i32
    %eq3A_436 = arith.cmpi eq, %arg0, %eq3A_435 : i32
    %convert_element_type3A_437 = arith.extui %eq3A_436 : i1 to i32
    %cond3A = arith.constant 0 : i32
    %cond3A_438 = arith.cmpi ne, %convert_element_type3A_437, %cond3A : i32
    scf.if %cond3A_438 {
      %swap3A_446 = arith.constant 0.000000e+00 : f32
      %swap3A_447 = arith.constant 0 : index
      %swap3A_448 = arith.constant 0 : index
      %swap3A_449 = memref.load %arg6[%swap3A_447, %swap3A_448] : memref<1x1xf32, #tpu.memory_space<smem>>
      memref.store %swap3A_446, %arg6[%swap3A_447, %swap3A_448] : memref<1x1xf32, #tpu.memory_space<smem>>
    } else {
    }
    %get3A_439 = arith.constant 0 : index
    %get3A_440 = arith.constant 0 : index
    %get3A_441 = memref.load %arg6[%get3A_439, %get3A_440] : memref<1x1xf32, #tpu.memory_space<smem>>
    %add3A_442 = arith.addf %get3A_441, %reduce_sum3A_434 : f32
    %swap3A_443 = arith.constant 0 : index
    %swap3A_444 = arith.constant 0 : index
    %swap3A_445 = memref.load %arg6[%swap3A_443, %swap3A_444] : memref<1x1xf32, #tpu.memory_space<smem>>
    memref.store %add3A_442, %arg6[%swap3A_443, %swap3A_444] : memref<1x1xf32, #tpu.memory_space<smem>>
    return
  }
  func.func @transform_0(%arg0: i32) -> (i32, i32) {
    %c0_i32 = arith.constant 0 : i32
    %c0_i32_0 = arith.constant 0 : i32
    return %arg0, %c0_i32 : i32, i32
  }
  func.func @transform_1(%arg0: i32) -> (i32, i32) {
    %c0_i32 = arith.constant 0 : i32
    %c0_i32_0 = arith.constant 0 : i32
    %c0_i32_1 = arith.constant 0 : i32
    return %c0_i32, %c0_i32_0 : i32, i32
  }
  func.func @transform_2(%arg0: i32) -> (i32, i32) {
    %c0_i32 = arith.constant 0 : i32
    %c0_i32_0 = arith.constant 0 : i32
    return %arg0, %c0_i32 : i32, i32
  }
  func.func @transform_3(%arg0: i32) -> (i32, i32) {
    %c0_i32 = arith.constant 0 : i32
    %c0_i32_0 = arith.constant 0 : i32
    %c0_i32_1 = arith.constant 0 : i32
    return %c0_i32, %c0_i32_0 : i32, i32
  }
  func.func @transform_4(%arg0: i32) -> (i32, i32) {
    %c0_i32 = arith.constant 0 : i32
    %c0_i32_0 = arith.constant 0 : i32
    return %arg0, %c0_i32 : i32, i32
  }
  func.func @transform_5(%arg0: i32) -> (i32, i32) {
    %c0_i32 = arith.constant 0 : i32
    %c0_i32_0 = arith.constant 0 : i32
    %c0_i32_1 = arith.constant 0 : i32
    return %c0_i32, %c0_i32_0 : i32, i32
  }
}

</mosaic_0001>

<sc_bundles>
// kernel: kernel.4.cloned.1.call-start
scs
__scs_entry_jumppad:
0x0: {  	(pc) =	sbr.rel $0x88, $3  }
0x1: {  	(tag) =	ssettag $0x0;
	lr =	simm.s32 $0x1  }
0x2: {  	[smem:$0x3F9F] =	sst lr;
	_ =	strace $0xD0000000  }
0x3: {  	_ = 	snop  }
0x4: {  	_ = 	snop  }
0x5: {  	_ = 	snop  }
0x6: {  	_ = 	snop  }
0x7: {  	_ = 	snop  }
__scs_overlays_trampoline_lowered:
0x8: {  	[smem:$0x3FAE] =	sst s0  }
0x9: {  	[smem:$0x3FAF] =	sst s1  }
0xa: {  	[smem:$0x3FB0] =	sst s2  }
0xb: {  	[smem:$0x3FB1] =	sst s3  }
0xc: {  	[smem:$0x3FB2] =	sst s4  }
0xd: {  	[smem:$0x3FB3] =	sst s5  }
0xe: {  	[smem:$0x3FB4] =	sst s6  }
0xf: {  	[smem:$0x3FB5] =	sst s7  }
0x10: {  	[smem:$0x3FB6] =	sst s8  }
0x11: {  	[smem:$0x3FB7] =	sst s9;
	s0 =	simm.s32 @!p0 $0x0  }
0x12: {  	s1 =	sld [smem:$0x3F9D];
	s0 =	simm.s32 @p0 $0x1  }
0x13: {  	[smem:$0x3FB8] =	sst s0;
	s0 =	simm.s32 @!p1 $0x0  }
0x14: {  	s2 =	sld [smem:$0x3F9C];
	s0 =	simm.s32 @p1 $0x1  }
0x15: {  	[smem:$0x3FB9] =	sst s0;
	s0 =	simm.s32 @!p2 $0x0  }
0x16: {  	s3 =	sld [smem:$0x3FDB];
	s0 =	simm.s32 @p2 $0x1  }
0x17: {  	s4 =	simm.s32 $0x1BF5;
	[smem:$0x3FBB] =	sst s0  }
0x18: {  	s0 =	sld [smem:$0x3F9E];
	_ =	swait.ge [sflag:s4], $0x0  }
0x19: {  	s7 =	sld [smem:$0x3F9F]  }
0x1a: {  	s8 =	sadd.s32 $0xFFFFE003, lr  }
0x1b: {  	s9 =	sadd.s32 $0xFFFFFEF7, lr;
	s5 =	simm.s32 $0xFFFFFFFF;
	p2 =	slt.u32 s8, $0xFFFFF086  }
0x1c: {  	p1 =	slt.u32 s9, $0xF7A;
	s5 =	simm.s32 @!p2 $0x0  }
0x1d: {  	s5 =	simm.s32 @p1 $0x1;
	p0 =	seq.s32 s7, s2  }
0x1e: {  	s7 =	smul.u32 @!p0 $0xF7A, s2;
	p2 =	seq.s32 @!p0 s5, $0x0  }
0x1f: {  	s9 =	smul.u32 $0xF7A, s1;
	s8 =	simm.s32 @!p0 $0x1BF5;
	p2 =	por !p2, p0  }
0x20: {  	[sflag:s8] =	ssyncset.s32 @!p0 $0xFFFFF086;
	s6 =	sadd.s32 @!p0 s3, s7;
	s7 =	simm.s32 @!p0 $0x108  }
0x21: {  	s3 =	sadd.s32 s3, s9;
	s6 =	sadd.s32 @!p0 $0x88, s6;
	s7 =	simm.s32 @p2 $0x1082  }
0x22: {  	[simem:s7], [sflag:s8] =	dma.local @!p0 [hbm:s6], $0xF7A  }
0x23: {  	s9 =	sor.u32 $0xD0000000, s2;
	s6 =	simm.s32 $0x108;
	_ =	swait.ge @!p0 [sflag:s8], $0x0  }
0x24: {  	s3 =	sadd.s32 $0x88, s3;
	s6 =	simm.s32 @!p1 $0x1082;
	[sflag:s4] =	ssyncset.s32 $0xFFFFF086  }
0x25: {  	[simem:s6], [sflag:s4] =	dma.local [hbm:s3], $0xF7A  }
0x26: {  	[smem:$0x3F9F] =	sst s1;
	(tag) =	ssettag s2;
	_ =	strace s9  }
0x27: {  	s1 =	sld [smem:$0x3FAF]  }
0x28: {  	s2 =	sld [smem:$0x3FB0]  }
0x29: {  	s4 =	sld [smem:$0x3FB2]  }
0x2a: {  	p0 =	seq.s32 s5, $0x0;
	s5 =	sld [smem:$0x3FB3]  }
0x2b: {  	s6 =	sld [smem:$0x3FB4]  }
0x2c: {  	s7 =	sld [smem:$0x3FB5]  }
0x2d: {  	s3 =	simm.s32 $0x108;
	s8 =	sld [smem:$0x3FB6]  }
0x2e: {  	s3 =	simm.s32 @!p0 $0x1082;
	s9 =	sld [smem:$0x3FB7]  }
0x2f: {  	lr =	sadd.s32 s0, s3;
	s0 =	sld [smem:$0x3FAE]  }
0x30: {  	s3 =	sld [smem:$0x3FB1]  }
0x31: {  	[smem:$0x3FBA] =	sst s10  }
0x32: {  	s10 =	sld [smem:$0x3FB8];
	_ =	sdelay $0x3  }
0x33: {  	p0 =	seq.s32 s10, $0x1;
	s10 =	sld [smem:$0x3FBA];
	_ =	sdelay $0x3  }
0x34: {  	[smem:$0x3FBA] =	sst s10  }
0x35: {  	s10 =	sld [smem:$0x3FB9];
	_ =	sdelay $0x3  }
0x36: {  	p1 =	seq.s32 s10, $0x1;
	s10 =	sld [smem:$0x3FBA];
	_ =	sdelay $0x3  }
0x37: {  	[smem:$0x3FBA] =	sst s10  }
0x38: {  	s10 =	sld [smem:$0x3FBB]  }
0x39: {  	_ = 	snop;
	(pc) =	sbr.ind lr, $3  }
0x3a: {  	_ = 	snop  }
0x3b: {  	_ = 	snop  }
0x3c: {  	p2 =	seq.s32 s10, $0x1;
	s10 =	sld [smem:$0x3FBA]  }
0x3d: {  	_ =	shalt  }
0x3e: {  	_ =	shalt  }
0x3f: {  	_ =	shalt  }
0x40: {  	_ =	shalt  }
0x41: {  	_ =	shalt  }
0x42: {  	_ =	shalt  }
0x43: {  	_ =	shalt  }
0x44: {  	_ =	shalt  }
0x45: {  	_ =	shalt  }
0x46: {  	_ =	shalt  }
0x47: {  	_ =	shalt  }
0x48: {  	_ =	shalt  }
0x49: {  	_ =	shalt  }
0x4a: {  	_ =	shalt  }
0x4b: {  	_ =	shalt  }
0x4c: {  	_ =	shalt  }
0x4d: {  	_ =	shalt  }
0x4e: {  	_ =	shalt  }
0x4f: {  	_ =	shalt  }
0x50: {  	_ =	shalt  }
0x51: {  	_ =	shalt  }
0x52: {  	_ =	shalt  }
0x53: {  	_ =	shalt  }
0x54: {  	_ =	shalt  }
0x55: {  	_ =	shalt  }
0x56: {  	_ =	shalt  }
0x57: {  	_ =	shalt  }
0x58: {  	_ =	shalt  }
0x59: {  	_ =	shalt  }
0x5a: {  	_ =	shalt  }
0x5b: {  	_ =	shalt  }
0x5c: {  	_ =	shalt  }
0x5d: {  	_ =	shalt  }
0x5e: {  	_ =	shalt  }
0x5f: {  	_ =	shalt  }
0x60: {  	_ =	shalt  }
0x61: {  	_ =	shalt  }
0x62: {  	_ =	shalt  }
0x63: {  	_ =	shalt  }
0x64: {  	_ =	shalt  }
0x65: {  	_ =	shalt  }
0x66: {  	_ =	shalt  }
0x67: {  	_ =	shalt  }
0x68: {  	_ =	shalt  }
0x69: {  	_ =	shalt  }
0x6a: {  	_ =	shalt  }
0x6b: {  	_ =	shalt  }
0x6c: {  	_ =	shalt  }
0x6d: {  	_ =	shalt  }
0x6e: {  	_ =	shalt  }
0x6f: {  	_ =	shalt  }
0x70: {  	_ =	shalt  }
0x71: {  	_ =	shalt  }
0x72: {  	_ =	shalt  }
0x73: {  	_ =	shalt  }
0x74: {  	_ =	shalt  }
0x75: {  	_ =	shalt  }
0x76: {  	_ =	shalt  }
0x77: {  	_ =	shalt  }
0x78: {  	_ =	shalt  }
0x79: {  	_ =	shalt  }
0x7a: {  	_ =	shalt  }
0x7b: {  	_ =	shalt  }
0x7c: {  	_ =	shalt  }
0x7d: {  	_ =	shalt  }
0x7e: {  	_ =	shalt  }
0x7f: {  	_ =	shalt  }
0x80: {  	_ =	shalt  }
0x81: {  	_ =	shalt  }
0x82: {  	_ =	shalt  }
0x83: {  	_ =	shalt  }
0x84: {  	_ =	shalt  }
0x85: {  	_ =	shalt  }
0x86: {  	_ =	shalt  }
0x87: {  	_ =	shalt  }
.Lfunc_end0:
.L_simem_size_0:
called_computation_lowered:
.L_overlay_start_0:
0x88: {  	s2 =	sld [smem:$0x3FD9]  }
0x89: {  	s3 =	sld [smem:$0x3FFE];
	_ =	sdelay $0x1  }
0x8a: {  	s1 =	srdreg.scid  }
0x8b: {  	s0 =	sand.u32 $0x1, s1  }
0x8c: {  	s15 =	sshll.u32 s0, $0xA;
	s2 =	sadd.s32 s3, s2  }
0x8d: {  	s2 =	sadd.s32 s2, s15  }
0x8e: {  	[smem:$0x3FC6] =	sst s2  }
0x8f: {  	_ = 	snop  }
0x90: {  	s2 =	sld [smem:$0x3FD0];
	_ =	sdelay $0x2  }
0x91: {  	s4 =	simm.s32 $0xA;
	s5 =	simm.s32 $0x10;
	s16 =	sld [smem:$0x3FC8]  }
0x92: {  	[smem:s5], [sflag:s4] =	dma.local [hbm:s2], $0x1  }
0x93: {  	_ =	swait.eq [sflag:s4], $0x1  }
0x94: {  	[sflag:s4] =	ssyncset.done $0x0  }
0x95: {  	s17 =	sld [smem:$0x10];
	[sflag:s4] =	ssyncadd.s32 $0xFFFFFFFF  }
0x96: {  	s18 =	sld [smem:$0x12];
	(tm) =	ssettm $0x1  }
0x97: {  	s19 =	sld [smem:$0x3FFB];
	_ =	sdelay $0x3  }
0x98: {  	_ =	strace s19  }
0x99: {  	s5 =	sld [smem:$0x3FFC];
	_ =	sdelay $0x3  }
0x9a: {  	_ =	strace s5  }
0x9b: {  	s5 =	sld [smem:$0x3FFD];
	_ =	sdelay $0x3  }
0x9c: {  	_ =	strace s5  }
0x9d: {  	_ =	strace $0x8FFFFFFF  }
0x9e: {  	s20 =	sld [smem:$0x3FDB];
	_ =	sdelay $0x1  }
0x9f: {  	s6 =	simm.s32 $_scs_section_size  }
0xa0: {  	s7 =	simm.s32 $_size__tile_overlayer_lowered;
	s8 =	simm.s32 $_tile_overlayer_lowered  }
0xa1: {  	s23 =	simm.s32 $0x1BFF;
	s22 =	sshll.u32 s8, $0x1;
	s5 =	sadd.s32 s6, s20  }
0xa2: {  	s9 =	simm.s32 $0x0;
	s21 =	sshll.u32 s7, $0x1;
	s7 =	sadd.s32 s22, s5  }
0xa3: {  	[timem:s9], [sflag:s23] =	dma.local [hbm:s7], s21  }
0xa4: {  	_ =	swait.ge [sflag:s23], s21  }
0xa5: {  	s6 =	ssub.s32 $0x0, s21;
	[sflag:s23] =	ssyncset.done $0x0  }
0xa6: {  	[sflag:s23] =	ssyncadd.s32 s6;
	_ =	sdelay $0x1  }
0xa7: {  	s24 =	simm.s32 $0x1B8B  }
0xa8: {  	_ =	swait.ge [sflag:s24], $0x1  }
0xa9: {  	[sflag:s24] =	ssyncset.done $0x0  }
0xaa: {  	s25 =	simm.s32 $0x1B8E;
	[sflag:s24] =	ssyncadd.s32 $0xFFFFFFFF  }
0xab: {  	s26 =	simm.s32 $execute0_lowered;
	[smem:$0x3FD2] =	sst s25  }
0xac: {  	s6 =	sshll.u32 s26, $0x1;
	_ =	strace $0x80000046;
	[dreg:$0x1] =	wrdreg $0xFFFFFFFF  }
0xad: {  	s28 =	simm.s32 $_size_execute0_lowered;
	s5 =	sadd.s32 s5, s6;
	[dreg:$0x0] =	wrdreg $0x0  }
0xae: {  	s6 =	sshll.u32 s28, $0x1;
	[dreg:$0x2] =	wrdreg s5  }
0xaf: {  	[dreg:$0x3] =	wrdreg s6  }
0xb0: {  	[dreg:$0x4] =	wrdreg $0xC0  }
0xb1: {  	_ =	task [dreg:s9], $0x5FFFF  }
0xb2: {  	[dreg:$0x1] =	wrdreg $0xFFFFFFFF  }
0xb3: {  	[dreg:$0x0] =	wrdreg $0x60  }
0xb4: {  	[dreg:$0x2] =	wrdreg s16  }
0xb5: {  	[dreg:$0x3] =	wrdreg s18  }
0xb6: {  	[dreg:$0x4] =	wrdreg s17  }
0xb7: {  	[dreg:$0x5] =	wrdreg $0x9  }
0xb8: {  	_ =	task.clear_ibuf [dreg:s9], $0x6FFFF;
	_ =	strace $0x90000046  }
0xb9: {  	s29 =	simm.s32 $0x9;
	_ =	strace $0x80000048  }
0xba: {  	_ =	swait.ge [sflag:s29], $0x1  }
0xbb: {  	[sflag:s29] =	ssyncadd.s32 $0xFFFFFFFF  }
0xbc: {  	_ =	strace $0x90000048  }
0xbd: {  	_ =	sfence  }
0xbe: {  	s30 =	sld [smem:$0x0];
	_ =	sdelay $0x2  }
0xbf: {  	s31 =	sshll.u32 s1, $0xD;
	s1 =	sshrl.u32 s1, $0x2  }
0xc0: {  	s3 =	sand.u32 $0x4000, s31;
	s1 =	sadd.s32 s1, s30  }
0xc1: {  	s0 =	sor.u32 s3, s0;
	s1 =	sshll.u32 s1, $0x11  }
0xc2: {  	s0 =	sor.u32 s1, s0  }
0xc3: {  	s0 =	sadd.s32 $0x8F2B, s0  }
0xc4: {  	[sflag:s0] =	ssyncadd.remote.s32 $0x1  }
0xc5: {  	_ =	sfence.sel $0xFFFF  }
0xc6: {  	[dreg:$0x0] =	wrdreg $0xFFFFFFFF;
	(pc) =	sbr.abs _section_cstart, $3  }
0xc7: {  	[dreg:$0x1] =	wrdreg $0xFFFFFFFF  }
0xc8: {  	_ =	task.clear_ibuf [dreg:s9], $0x2FFFF;
	_ =	strace $0x9FFFFFFF  }
0xc9: {  	(tm) =	ssettm $0x7FFFFFFF  }
tec
execute0_lowered:
.L_overlay_start_1:
0x0: {  	(tag) =	ssettag $0x1  }
0x1: {  	s1 =	rddreg [dreg:$0x0]  }
0x2: {  	s2 =	srdreg.scid;
	s4 =	rddreg [dreg:$0x1]  }
0x3: {  	s0 =	stileid.u32;
	s5 =	rddreg [dreg:$0x2];
	s15 =	simm.s32 $0x980  }
0x4: {  	s16 =	simm.s32 $0x1180;
	s2 =	sand.u32 $0x1, s2;
	s3 =	sshll.u32 s0, $0x1  }
0x5: {  	s17 =	simm.s32 $0x1980;
	s6 =	sor.u32 s2, s3;
	s3 =	simm.s32 $0x0  }
0x6: {  	s18 =	simm.s32 $0x2180;
	s19 =	simm.s32 $0x2980;
	[smem:$0x7FF] =	sst s3  }
0x7: {  	s20 =	simm.s32 $0x3180;
	_ =	strace $0x80000047;
	[dreg:$0x6] =	wrdreg s15  }
0x8: {  	s21 =	simm.s32 $0x3980;
	s23 =	simm.s32 $0x4180;
	[dreg:$0x7] =	wrdreg s16  }
0x9: {  	s24 =	simm.s32 $0x4980;
	s25 =	simm.s32 $0x5180;
	[dreg:$0x8] =	wrdreg s17  }
0xa: {  	s26 =	simm.s32 $0x5980;
	s8 =	simm.s32 $0x6980;
	[dreg:$0x9] =	wrdreg s18  }
0xb: {  	s9 =	simm.s32 $0x7180;
	s10 =	simm.s32 $0x7980;
	[dreg:$0xa] =	wrdreg s19  }
0xc: {  	s11 =	simm.s32 $0x8180;
	s12 =	simm.s32 $0x8980;
	[dreg:$0xb] =	wrdreg s20  }
0xd: {  	s13 =	simm.s32 $0x9180;
	s28 =	simm.s32 $0x10180;
	[dreg:$0xc] =	wrdreg s21  }
0xe: {  	s29 =	simm.s32 $0x10980;
	s30 =	simm.s32 $0x11180;
	[dreg:$0xd] =	wrdreg s23  }
0xf: {  	s31 =	simm.s32 $0x11980;
	s2 =	ssub.s32 $0x2, s2;
	[dreg:$0xe] =	wrdreg s24  }
0x10: {  	s7 =	smul.u32 $0x24, s6;
	s22 =	sshrl.u32 s2, $0x1;
	[dreg:$0xf] =	wrdreg s25  }
0x11: {  	s6 =	smul.u32 $0x2400, s6;
	s2 =	ssub.s32 s2, s22;
	[dreg:$0x10] =	wrdreg s26  }
0x12: {  	s15 =	simm.s32 $0xA180;
	s16 =	simm.s32 $0xA980;
	s17 =	simm.s32 $0xB180  }
0x13: {  	s18 =	simm.s32 $0xB980;
	s19 =	simm.s32 $0xC180;
	s20 =	simm.s32 $0xC980  }
0x14: {  	s21 =	simm.s32 $0xD180;
	s22 =	simm.s32 $0xD980;
	s23 =	simm.s32 $0xE180  }
0x15: {  	s24 =	simm.s32 $0xE980;
	s25 =	simm.s32 $0xF180;
	s4 =	sadd.s32 s4, s7  }
0x16: {  	v2 =	vlaneseq.u32;
	s26 =	simm.s32 $0xF980;
	s14 =	sadd.s32 s5, s6;
	[dreg:$0x4] =	wrdreg s4  }
0x17: {  	vm0 =	vmmov $0xffff;
	v1 =	vshrl.u32 v2, $0x3;
	s5 =	simm.s32 $0x2;
	s6 =	simm.s32 $0x180;
	[dreg:$0x5] =	wrdreg s14  }
0x18: {  	v0 =	vand.u32 $0x7, v2;
	v2 =	vor.u32 $0x8, v2;
	v1 =	vmul.u32 $0x8, v1;
	s4 =	smax.u32 s2, $0x1;
	s14 =	simm.s32 $0x9980;
	s2 =	simm.s32 $0x1  }
.LBB2_1:
0x19: {  	s0 =	rddreg [dreg:$0x4]  }
0x1a: {  	[tilespmem:s3], [sflag:$0x2] =	stream.linear.gather [hbm4b:s0+s3], $0x120, $0x38;
	[tilespmem:$0x12180] =	vst v63  }
0x1b: {  	_ =	swait.ge [sflag:s5], $0x120  }
0x1c: {  	[sflag:s5] =	ssyncset.done $0x0  }
0x1d: {  	[sflag:s5] =	ssyncadd.s32 $0xFFFFFEE0  }
0x1e: {  	v3 =	vld [tilespmem:$0x0];
	_ =	sdelay $0x4  }
0x1f: {  	v4 =	vshll.u32 v3, $0x1  }
0x20: {  	v3 =	vand.u32 $0x7, v3;
	v4 =	vand.u32 $0xFFFFFFF0, v4  }
0x21: {  	v3 =	vor.u32 v3, v4  }
0x22: {  	v4 =	vperm.xlane v3, v0;
	_ =	sdelay $0x1  }
0x23: {  	v3 =	vperm.xlane v3, v2;
	v4 =	vadd.s32 v1, v4;
	_ =	sdelay $0x1  }
0x24: {  	v3 =	vadd.s32 v1, v3;
	_ =	sdelay $0x2  }
0x25: {  	[tilespmem:s6], [sflag:$0x1] =	stream.indirect_vreg.gather [hbm4b:s1+s3], $0x80, v4, vm0, $0xb8;
	[tilespmem:$0x12180] =	vst v63  }
0x26: {  	s7 =	rddreg [dreg:$0x6]  }
0x27: {  	[tilespmem:s7], [sflag:$0x1] =	stream.indirect_vreg.gather [hbm4b:s1+s3], $0x80, v3, vm0, $0xb8;
	[tilespmem:$0x12180] =	vst v63  }
0x28: {  	v3 =	vld [tilespmem:$0x10];
	_ =	sdelay $0x4  }
0x29: {  	v47 =	vshll.u32 v3, $0x1  }
0x2a: {  	v3 =	vand.u32 $0x7, v3;
	v4 =	vand.u32 $0xFFFFFFF0, v47  }
0x2b: {  	v3 =	vor.u32 v3, v4  }
0x2c: {  	v4 =	vperm.xlane v3, v0;
	_ =	sdelay $0x1  }
0x2d: {  	v3 =	vperm.xlane v3, v2;
	v4 =	vadd.s32 v1, v4;
	_ =	sdelay $0x1  }
0x2e: {  	v3 =	vadd.s32 v1, v3;
	_ =	sdelay $0x1  }
0x2f: {  	s0 =	rddreg [dreg:$0x7]  }
0x30: {  	[tilespmem:s0], [sflag:$0x1] =	stream.indirect_vreg.gather [hbm4b:s1+s3], $0x80, v4, vm0, $0xb8;
	[tilespmem:$0x12180] =	vst v63  }
0x31: {  	s7 =	rddreg [dreg:$0x8]  }
0x32: {  	[tilespmem:s7], [sflag:$0x1] =	stream.indirect_vreg.gather [hbm4b:s1+s3], $0x80, v3, vm0, $0xb8;
	[tilespmem:$0x12180] =	vst v63  }
0x33: {  	v3 =	vld [tilespmem:$0x20];
	_ =	sdelay $0x4  }
0x34: {  	v48 =	vshll.u32 v3, $0x1  }
0x35: {  	v3 =	vand.u32 $0x7, v3;
	v4 =	vand.u32 $0xFFFFFFF0, v48  }
0x36: {  	v3 =	vor.u32 v3, v4  }
0x37: {  	v4 =	vperm.xlane v3, v0;
	_ =	sdelay $0x1  }
0x38: {  	v3 =	vperm.xlane v3, v2;
	v4 =	vadd.s32 v1, v4;
	_ =	sdelay $0x1  }
0x39: {  	v3 =	vadd.s32 v1, v3;
	_ =	sdelay $0x1  }
0x3a: {  	s0 =	rddreg [dreg:$0x9]  }
0x3b: {  	[tilespmem:s0], [sflag:$0x1] =	stream.indirect_vreg.gather [hbm4b:s1+s3], $0x80, v4, vm0, $0xb8;
	[tilespmem:$0x12180] =	vst v63  }
0x3c: {  	s7 =	rddreg [dreg:$0xa]  }
0x3d: {  	[tilespmem:s7], [sflag:$0x1] =	stream.indirect_vreg.gather [hbm4b:s1+s3], $0x80, v3, vm0, $0xb8;
	[tilespmem:$0x12180] =	vst v63  }
0x3e: {  	v3 =	vld [tilespmem:$0x30];
	_ =	sdelay $0x4  }
0x3f: {  	v49 =	vshll.u32 v3, $0x1  }
0x40: {  	v3 =	vand.u32 $0x7, v3;
	v4 =	vand.u32 $0xFFFFFFF0, v49  }
0x41: {  	v3 =	vor.u32 v3, v4  }
0x42: {  	v4 =	vperm.xlane v3, v0;
	_ =	sdelay $0x1  }
0x43: {  	v3 =	vperm.xlane v3, v2;
	v4 =	vadd.s32 v1, v4;
	_ =	sdelay $0x1  }
0x44: {  	v3 =	vadd.s32 v1, v3;
	_ =	sdelay $0x1  }
0x45: {  	s0 =	rddreg [dreg:$0xb]  }
0x46: {  	[tilespmem:s0], [sflag:$0x1] =	stream.indirect_vreg.gather [hbm4b:s1+s3], $0x80, v4, vm0, $0xb8;
	[tilespmem:$0x12180] =	vst v63  }
0x47: {  	s7 =	rddreg [dreg:$0xc]  }
0x48: {  	[tilespmem:s7], [sflag:$0x1] =	stream.indirect_vreg.gather [hbm4b:s1+s3], $0x80, v3, vm0, $0xb8;
	[tilespmem:$0x12180] =	vst v63  }
0x49: {  	v3 =	vld [tilespmem:$0x40];
	_ =	sdelay $0x4  }
0x4a: {  	v50 =	vshll.u32 v3, $0x1  }
0x4b: {  	v3 =	vand.u32 $0x7, v3;
	v4 =	vand.u32 $0xFFFFFFF0, v50  }
0x4c: {  	v3 =	vor.u32 v3, v4  }
0x4d: {  	v4 =	vperm.xlane v3, v0;
	_ =	sdelay $0x1  }
0x4e: {  	v3 =	vperm.xlane v3, v2;
	v4 =	vadd.s32 v1, v4;
	_ =	sdelay $0x1  }
0x4f: {  	v3 =	vadd.s32 v1, v3;
	_ =	sdelay $0x1  }
0x50: {  	s0 =	rddreg [dreg:$0xd]  }
0x51: {  	[tilespmem:s0], [sflag:$0x1] =	stream.indirect_vreg.gather [hbm4b:s1+s3], $0x80, v4, vm0, $0xb8;
	[tilespmem:$0x12180] =	vst v63  }
0x52: {  	s7 =	rddreg [dreg:$0xe]  }
0x53: {  	[tilespmem:s7], [sflag:$0x1] =	stream.indirect_vreg.gather [hbm4b:s1+s3], $0x80, v3, vm0, $0xb8;
	[tilespmem:$0x12180] =	vst v63  }
0x54: {  	v3 =	vld [tilespmem:$0x50];
	_ =	sdelay $0x4  }
0x55: {  	v51 =	vshll.u32 v3, $0x1  }
0x56: {  	v3 =	vand.u32 $0x7, v3;
	v4 =	vand.u32 $0xFFFFFFF0, v51  }
0x57: {  	v3 =	vor.u32 v3, v4  }
0x58: {  	v4 =	vperm.xlane v3, v0;
	_ =	sdelay $0x1  }
0x59: {  	v3 =	vperm.xlane v3, v2;
	v4 =	vadd.s32 v1, v4;
	_ =	sdelay $0x1  }
0x5a: {  	v3 =	vadd.s32 v1, v3;
	_ =	sdelay $0x1  }
0x5b: {  	s0 =	rddreg [dreg:$0xf]  }
0x5c: {  	[tilespmem:s0], [sflag:$0x1] =	stream.indirect_vreg.gather [hbm4b:s1+s3], $0x80, v4, vm0, $0xb8;
	[tilespmem:$0x12180] =	vst v63  }
0x5d: {  	s7 =	rddreg [dreg:$0x10]  }
0x5e: {  	[tilespmem:s7], [sflag:$0x1] =	stream.indirect_vreg.gather [hbm4b:s1+s3], $0x80, v3, vm0, $0xb8;
	[tilespmem:$0x12180] =	vst v63  }
0x5f: {  	v3 =	vld [tilespmem:$0x60];
	_ =	sdelay $0x4  }
0x60: {  	v52 =	vshll.u32 v3, $0x1  }
0x61: {  	v3 =	vand.u32 $0x7, v3;
	v4 =	vand.u32 $0xFFFFFFF0, v52  }
0x62: {  	v3 =	vor.u32 v3, v4  }
0x63: {  	v4 =	vperm.xlane v3, v0;
	_ =	sdelay $0x1  }
0x64: {  	v3 =	vperm.xlane v3, v2;
	v4 =	vadd.s32 v1, v4;
	_ =	sdelay $0x1  }
0x65: {  	v3 =	vadd.s32 v1, v3;
	_ =	sdelay $0x1  }
0x66: {  	s7 =	simm.s32 $0x6180  }
0x67: {  	[tilespmem:s7], [sflag:$0x1] =	stream.indirect_vreg.gather [hbm4b:s1+s3], $0x80, v4, vm0, $0xb8;
	[tilespmem:$0x12180] =	vst v63  }
0x68: {  	_ = 	snop  }
0x69: {  	[tilespmem:s8], [sflag:$0x1] =	stream.indirect_vreg.gather [hbm4b:s1+s3], $0x80, v3, vm0, $0xb8;
	[tilespmem:$0x12180] =	vst v63  }
0x6a: {  	v3 =	vld [tilespmem:$0x70];
	_ =	sdelay $0x4  }
0x6b: {  	v53 =	vshll.u32 v3, $0x1  }
0x6c: {  	v3 =	vand.u32 $0x7, v3;
	v4 =	vand.u32 $0xFFFFFFF0, v53  }
0x6d: {  	v3 =	vor.u32 v3, v4  }
0x6e: {  	v4 =	vperm.xlane v3, v0;
	_ =	sdelay $0x1  }
0x6f: {  	v3 =	vperm.xlane v3, v2;
	v4 =	vadd.s32 v1, v4;
	_ =	sdelay $0x1  }
0x70: {  	v3 =	vadd.s32 v1, v3;
	_ =	sdelay $0x2  }
0x71: {  	[tilespmem:s9], [sflag:$0x1] =	stream.indirect_vreg.gather [hbm4b:s1+s3], $0x80, v4, vm0, $0xb8;
	[tilespmem:$0x12180] =	vst v63  }
0x72: {  	_ = 	snop  }
0x73: {  	[tilespmem:s10], [sflag:$0x1] =	stream.indirect_vreg.gather [hbm4b:s1+s3], $0x80, v3, vm0, $0xb8;
	[tilespmem:$0x12180] =	vst v63  }
0x74: {  	v3 =	vld [tilespmem:$0x80];
	_ =	sdelay $0x4  }
0x75: {  	v54 =	vshll.u32 v3, $0x1  }
0x76: {  	v3 =	vand.u32 $0x7, v3;
	v4 =	vand.u32 $0xFFFFFFF0, v54  }
0x77: {  	v3 =	vor.u32 v3, v4  }
0x78: {  	v4 =	vperm.xlane v3, v0;
	_ =	sdelay $0x1  }
0x79: {  	v3 =	vperm.xlane v3, v2;
	v4 =	vadd.s32 v1, v4;
	_ =	sdelay $0x1  }
0x7a: {  	v3 =	vadd.s32 v1, v3;
	_ =	sdelay $0x2  }
0x7b: {  	[tilespmem:s11], [sflag:$0x1] =	stream.indirect_vreg.gather [hbm4b:s1+s3], $0x80, v4, vm0, $0xb8;
	[tilespmem:$0x12180] =	vst v63  }
0x7c: {  	_ = 	snop  }
0x7d: {  	[tilespmem:s12], [sflag:$0x1] =	stream.indirect_vreg.gather [hbm4b:s1+s3], $0x80, v3, vm0, $0xb8;
	[tilespmem:$0x12180] =	vst v63  }
0x7e: {  	v3 =	vld [tilespmem:$0x90];
	_ =	sdelay $0x4  }
0x7f: {  	v55 =	vshll.u32 v3, $0x1  }
0x80: {  	v3 =	vand.u32 $0x7, v3;
	v4 =	vand.u32 $0xFFFFFFF0, v55  }
0x81: {  	v3 =	vor.u32 v3, v4  }
0x82: {  	v4 =	vperm.xlane v3, v0;
	_ =	sdelay $0x1  }
0x83: {  	v3 =	vperm.xlane v3, v2;
	v4 =	vadd.s32 v1, v4;
	_ =	sdelay $0x1  }
0x84: {  	v3 =	vadd.s32 v1, v3;
	_ =	sdelay $0x2  }
0x85: {  	[tilespmem:s13], [sflag:$0x1] =	stream.indirect_vreg.gather [hbm4b:s1+s3], $0x80, v4, vm0, $0xb8;
	[tilespmem:$0x12180] =	vst v63  }
0x86: {  	_ = 	snop  }
0x87: {  	[tilespmem:s14], [sflag:$0x1] =	stream.indirect_vreg.gather [hbm4b:s1+s3], $0x80, v3, vm0, $0xb8;
	[tilespmem:$0x12180] =	vst v63  }
0x88: {  	v3 =	vld [tilespmem:$0xA0];
	_ =	sdelay $0x4  }
0x89: {  	v56 =	vshll.u32 v3, $0x1  }
0x8a: {  	v3 =	vand.u32 $0x7, v3;
	v4 =	vand.u32 $0xFFFFFFF0, v56  }
0x8b: {  	v3 =	vor.u32 v3, v4  }
0x8c: {  	v4 =	vperm.xlane v3, v0;
	_ =	sdelay $0x1  }
0x8d: {  	v3 =	vperm.xlane v3, v2;
	v4 =	vadd.s32 v1, v4;
	_ =	sdelay $0x1  }
0x8e: {  	v3 =	vadd.s32 v1, v3;
	_ =	sdelay $0x2  }
0x8f: {  	[tilespmem:s15], [sflag:$0x1] =	stream.indirect_vreg.gather [hbm4b:s1+s3], $0x80, v4, vm0, $0xb8;
	[tilespmem:$0x12180] =	vst v63  }
0x90: {  	_ = 	snop  }
0x91: {  	[tilespmem:s16], [sflag:$0x1] =	stream.indirect_vreg.gather [hbm4b:s1+s3], $0x80, v3, vm0, $0xb8;
	[tilespmem:$0x12180] =	vst v63  }
0x92: {  	v3 =	vld [tilespmem:$0xB0];
	_ =	sdelay $0x4  }
0x93: {  	v57 =	vshll.u32 v3, $0x1  }
0x94: {  	v3 =	vand.u32 $0x7, v3;
	v4 =	vand.u32 $0xFFFFFFF0, v57  }
0x95: {  	v3 =	vor.u32 v3, v4  }
0x96: {  	v4 =	vperm.xlane v3, v0;
	_ =	sdelay $0x1  }
0x97: {  	v3 =	vperm.xlane v3, v2;
	v4 =	vadd.s32 v1, v4;
	_ =	sdelay $0x1  }
0x98: {  	v3 =	vadd.s32 v1, v3;
	_ =	sdelay $0x2  }
0x99: {  	[tilespmem:s17], [sflag:$0x1] =	stream.indirect_vreg.gather [hbm4b:s1+s3], $0x80, v4, vm0, $0xb8;
	[tilespmem:$0x12180] =	vst v63  }
0x9a: {  	_ = 	snop  }
0x9b: {  	[tilespmem:s18], [sflag:$0x1] =	stream.indirect_vreg.gather [hbm4b:s1+s3], $0x80, v3, vm0, $0xb8;
	[tilespmem:$0x12180] =	vst v63  }
0x9c: {  	v3 =	vld [tilespmem:$0xC0];
	_ =	sdelay $0x4  }
0x9d: {  	v58 =	vshll.u32 v3, $0x1  }
0x9e: {  	v3 =	vand.u32 $0x7, v3;
	v4 =	vand.u32 $0xFFFFFFF0, v58  }
0x9f: {  	v3 =	vor.u32 v3, v4  }
0xa0: {  	v4 =	vperm.xlane v3, v0;
	_ =	sdelay $0x1  }
0xa1: {  	v3 =	vperm.xlane v3, v2;
	v4 =	vadd.s32 v1, v4;
	_ =	sdelay $0x1  }
0xa2: {  	v3 =	vadd.s32 v1, v3;
	_ =	sdelay $0x2  }
0xa3: {  	[tilespmem:s19], [sflag:$0x1] =	stream.indirect_vreg.gather [hbm4b:s1+s3], $0x80, v4, vm0, $0xb8;
	[tilespmem:$0x12180] =	vst v63  }
0xa4: {  	_ = 	snop  }
0xa5: {  	[tilespmem:s20], [sflag:$0x1] =	stream.indirect_vreg.gather [hbm4b:s1+s3], $0x80, v3, vm0, $0xb8;
	[tilespmem:$0x12180] =	vst v63  }
0xa6: {  	v3 =	vld [tilespmem:$0xD0];
	_ =	sdelay $0x4  }
0xa7: {  	v59 =	vshll.u32 v3, $0x1  }
0xa8: {  	v3 =	vand.u32 $0x7, v3;
	v4 =	vand.u32 $0xFFFFFFF0, v59  }
0xa9: {  	v3 =	vor.u32 v3, v4  }
0xaa: {  	v4 =	vperm.xlane v3, v0;
	_ =	sdelay $0x1  }
0xab: {  	v3 =	vperm.xlane v3, v2;
	v4 =	vadd.s32 v1, v4;
	_ =	sdelay $0x1  }
0xac: {  	v3 =	vadd.s32 v1, v3;
	_ =	sdelay $0x2  }
0xad: {  	[tilespmem:s21], [sflag:$0x1] =	stream.indirect_vreg.gather [hbm4b:s1+s3], $0x80, v4, vm0, $0xb8;
	[tilespmem:$0x12180] =	vst v63  }
0xae: {  	_ = 	snop  }
0xaf: {  	[tilespmem:s22], [sflag:$0x1] =	stream.indirect_vreg.gather [hbm4b:s1+s3], $0x80, v3, vm0, $0xb8;
	[tilespmem:$0x12180] =	vst v63  }
0xb0: {  	v3 =	vld [tilespmem:$0xE0];
	_ =	sdelay $0x4  }
0xb1: {  	v60 =	vshll.u32 v3, $0x1  }
0xb2: {  	v3 =	vand.u32 $0x7, v3;
	v4 =	vand.u32 $0xFFFFFFF0, v60  }
0xb3: {  	v3 =	vor.u32 v3, v4  }
0xb4: {  	v4 =	vperm.xlane v3, v0;
	_ =	sdelay $0x1  }
0xb5: {  	v3 =	vperm.xlane v3, v2;
	v4 =	vadd.s32 v1, v4;
	_ =	sdelay $0x1  }
0xb6: {  	v3 =	vadd.s32 v1, v3;
	_ =	sdelay $0x2  }
0xb7: {  	[tilespmem:s23], [sflag:$0x1] =	stream.indirect_vreg.gather [hbm4b:s1+s3], $0x80, v4, vm0, $0xb8;
	[tilespmem:$0x12180] =	vst v63  }
0xb8: {  	_ = 	snop  }
0xb9: {  	[tilespmem:s24], [sflag:$0x1] =	stream.indirect_vreg.gather [hbm4b:s1+s3], $0x80, v3, vm0, $0xb8;
	[tilespmem:$0x12180] =	vst v63  }
0xba: {  	v3 =	vld [tilespmem:$0xF0];
	_ =	sdelay $0x4  }
0xbb: {  	v61 =	vshll.u32 v3, $0x1  }
0xbc: {  	v3 =	vand.u32 $0x7, v3;
	v4 =	vand.u32 $0xFFFFFFF0, v61  }
0xbd: {  	v3 =	vor.u32 v3, v4  }
0xbe: {  	v4 =	vperm.xlane v3, v0;
	_ =	sdelay $0x1  }
0xbf: {  	v3 =	vperm.xlane v3, v2;
	v4 =	vadd.s32 v1, v4;
	_ =	sdelay $0x1  }
0xc0: {  	v3 =	vadd.s32 v1, v3;
	_ =	sdelay $0x2  }
0xc1: {  	[tilespmem:s25], [sflag:$0x1] =	stream.indirect_vreg.gather [hbm4b:s1+s3], $0x80, v4, vm0, $0xb8;
	[tilespmem:$0x12180] =	vst v63  }
0xc2: {  	_ = 	snop  }
0xc3: {  	[tilespmem:s26], [sflag:$0x1] =	stream.indirect_vreg.gather [hbm4b:s1+s3], $0x80, v3, vm0, $0xb8;
	[tilespmem:$0x12180] =	vst v63  }
0xc4: {  	v3 =	vld [tilespmem:$0x100];
	_ =	sdelay $0x4  }
0xc5: {  	v62 =	vshll.u32 v3, $0x1  }
0xc6: {  	v3 =	vand.u32 $0x7, v3;
	v4 =	vand.u32 $0xFFFFFFF0, v62  }
0xc7: {  	v3 =	vor.u32 v3, v4  }
0xc8: {  	v4 =	vperm.xlane v3, v0;
	_ =	sdelay $0x1  }
0xc9: {  	v3 =	vperm.xlane v3, v2;
	v4 =	vadd.s32 v1, v4;
	_ =	sdelay $0x1  }
0xca: {  	v3 =	vadd.s32 v1, v3;
	_ =	sdelay $0x2  }
0xcb: {  	[tilespmem:s28], [sflag:$0x1] =	stream.indirect_vreg.gather [hbm4b:s1+s3], $0x80, v4, vm0, $0xb8;
	[tilespmem:$0x12180] =	vst v63  }
0xcc: {  	_ = 	snop  }
0xcd: {  	[tilespmem:s29], [sflag:$0x1] =	stream.indirect_vreg.gather [hbm4b:s1+s3], $0x80, v3, vm0, $0xb8;
	[tilespmem:$0x12180] =	vst v63  }
0xce: {  	v3 =	vld [tilespmem:$0x110];
	_ =	sdelay $0x4  }
0xcf: {  	v63 =	vshll.u32 v3, $0x1  }
0xd0: {  	v3 =	vand.u32 $0x7, v3;
	v4 =	vand.u32 $0xFFFFFFF0, v63  }
0xd1: {  	v3 =	vor.u32 v3, v4  }
0xd2: {  	v4 =	vperm.xlane v3, v0;
	_ =	sdelay $0x1  }
0xd3: {  	v3 =	vperm.xlane v3, v2;
	v4 =	vadd.s32 v1, v4;
	_ =	sdelay $0x1  }
0xd4: {  	v3 =	vadd.s32 v1, v3;
	_ =	sdelay $0x2  }
0xd5: {  	[tilespmem:s30], [sflag:$0x1] =	stream.indirect_vreg.gather [hbm4b:s1+s3], $0x80, v4, vm0, $0xb8;
	[tilespmem:$0x12180] =	vst v63  }
0xd6: {  	_ = 	snop  }
0xd7: {  	[tilespmem:s31], [sflag:$0x1] =	stream.indirect_vreg.gather [hbm4b:s1+s3], $0x80, v3, vm0, $0xb8;
	[tilespmem:$0x12180] =	vst v63  }
0xd8: {  	_ =	swait.ge [sflag:s2], $0x12000  }
0xd9: {  	p0 =	sne.s32 s4, $0x1;
	[sflag:s2] =	ssyncset.done $0x0  }
.Ltmp0:
0xda: {  	s7 =	rddreg [dreg:$0x5];
	[sflag:s2] =	ssyncadd.s32 $0xFFFEE000;
	(pc) =	sbr.rel @p0 .LBB2_1-.Ltmp0, $4  }
0xdb: {  	[hbm4b:s7+s3] =	stream.linear.scatter [tilespmem:s6], [sflag:$0x2], $0x12000, $0x38;
	[tilespmem:$0x12180] =	vst v63  }
0xdc: {  	_ =	swait.ge [sflag:s5], $0x12000  }
0xdd: {  	[sflag:s5] =	ssyncset.done $0x0  }
0xde: {  	s4 =	sadd.s32 $0xFFFFFFFF, s4;
	[sflag:s5] =	ssyncadd.s32 $0xFFFEE000  }
0xdf: {  	_ =	sfence.sel $0x180000  }
0xe0: {  	[bflag:$0x0] =	sbarrier.arrive $0xFFFF  }
0xe1: {  	_ =	strace $0x90000047  }
0xe2: {  	s0 =	stileid.u32;
	[bflag:$0x2] =	sbarrier.arrive $0xFFFF  }
0xe3: {  	p0 =	sne.s32 s0, $0x0;
	s0 =	rddreg [dreg:$0x3]  }
0xe4: {  	s0 =	sadd.s32 @!p0 $0x100000, s0  }
0xe5: {  	[sflag:s0] =	ssyncadd.tile.s32 @!p0 $0x1;
	_ =	shalt  }
.Lfunc_end2:
_tile_overlayer_lowered:
.L_overlay_start_2:
0xe6: {  	(tag) =	ssettag $0x2  }
0xe7: {  	s0 =	rddreg [dreg:$0x0];
	s2 =	stileid.u32  }
0xe8: {  	s1 =	rddreg [dreg:$0x1];
	p0 =	sne.s32 s2, $0x0  }
0xe9: {  	s3 =	rddreg [dreg:$0x2];
	[bflag:$0x3] =	sbarrier.arrive $0xFFFF;
	s2 =	simm.s32 @!p0 $0x1C02  }
0xea: {  	[timem:s3], [sflag:s2] =	dma.local @!p0 [hbm:s0], s1  }
0xeb: {  	s0 =	simm.s32 @!p0 $0x2  }
0xec: {  	_ =	swait.ge @!p0 [sflag:s0], s1  }
0xed: {  	s1 =	ssub.s32 @!p0 $0x0, s1;
	[sflag:s0] =	ssyncset.done @!p0 $0x0  }
0xee: {  	[sflag:s0] =	ssyncadd.s32 @!p0 s1  }
0xef: {  	[bflag:$0x3] =	sbarrier.arrive $0xFFFF  }
0xf0: {  	_ =	shalt  }

</sc_bundles>
